<compile_context>
chip_gen: v7x
topology: tpu7x:2x2x1
jax: 0.10.2.dev20260603
libtpu: 0.0.44.dev20260713+nightly
codegen_flags: <defaults>
</compile_context>

<pallas_src>
import jax
import jax.numpy as jnp
from jax import lax
from jax.experimental import pallas as pl
from jax.experimental.pallas import tpu as pltpu
from jax.experimental.pallas import tpu_sc as plsc

B = 128
L = 1025
D = 192
SEQ = 1024
NR = 256
NM = SEQ - NR
NB = 1024
LN = 16
CH = SEQ // LN
NC, NS = 2, 16
NW = NC * NS
RPW = B // NW


def _sc_sort_body(noise_hbm, out_remain, out_masked, out_revert,
                  ka, va, kb, vb, hist, offs, revert_v):
    wid = lax.axis_index("s") * NC + lax.axis_index("c")

    def row_body(r, carry):
        b = wid * RPW + r
        pltpu.sync_copy(noise_hbm.at[pl.ds(b * SEQ, SEQ)], ka)

        def init_chunk(c, carry):
            va[pl.ds(c * LN, LN)] = lax.iota(jnp.int32, LN) + c * LN
            return carry
        lax.fori_loop(0, CH, init_chunk, 0)

        for p, (ks, vs, kd, vd) in enumerate(
            ((ka, va, kb, vb), (kb, vb, ka, va), (ka, va, kb, vb))):
            shift = 10 * p

            def clear_chunk(c, carry):
                hist[pl.ds(c * LN, LN)] = jnp.zeros((LN,), jnp.int32)
                return carry
            lax.fori_loop(0, NB // LN, clear_chunk, 0)

            def hist_chunk(c, carry, ks=ks, shift=shift):
                k16 = ks[pl.ds(c * LN, LN)]
                d = (k16 >> shift) & (NB - 1)
                cnt, last = plsc.scan_count(d)
                plsc.addupdate_scatter(hist, [d], cnt, mask=last)
                return carry
            lax.fori_loop(0, CH, hist_chunk, 0)

            def scan_chunk(c, run):
                h = hist[pl.ds(c * LN, LN)]
                cs = plsc.cumsum(h)
                offs[pl.ds(c * LN, LN)] = cs - h + run
                return run + jnp.sum(h)
            lax.fori_loop(0, NB // LN, scan_chunk, jnp.int32(0))

            def perm_chunk(c, carry, ks=ks, vs=vs, kd=kd, vd=vd, shift=shift):
                k16 = ks[pl.ds(c * LN, LN)]
                v16 = vs[pl.ds(c * LN, LN)]
                d = (k16 >> shift) & (NB - 1)
                cnt, last = plsc.scan_count(d)
                base = plsc.load_gather(offs, [d])
                pos = base + cnt - 1
                plsc.store_scatter(kd, [pos], k16)
                plsc.store_scatter(vd, [pos], v16)
                plsc.addupdate_scatter(offs, [d], cnt, mask=last)
                return carry
            lax.fori_loop(0, CH, perm_chunk, 0)

        def rev_chunk(c, carry):
            v16 = vb[pl.ds(c * LN, LN)]
            plsc.store_scatter(revert_v, [v16], lax.iota(jnp.int32, LN) + c * LN)
            return carry
        lax.fori_loop(0, CH, rev_chunk, 0)

        pltpu.sync_copy(revert_v, out_revert.at[pl.ds(b * SEQ, SEQ)])
        pltpu.sync_copy(vb.at[pl.ds(0, NR)], out_remain.at[pl.ds(b * NR, NR)])
        pltpu.sync_copy(vb.at[pl.ds(NR, NM)], out_masked.at[pl.ds(b * NM, NM)])
        return carry

    lax.fori_loop(0, RPW, row_body, 0)


DP = 256


def _tc_transpose_body(in_ref, out_ref):
    x = in_ref[...]
    y = jnp.transpose(x, (0, 2, 1))
    pad = jnp.zeros(y.shape[:2] + (DP - D,), jnp.float32)
    out_ref[...] = jnp.concatenate([y, pad], axis=2)


KP = 264


def _sc_gather_body(data_hbm, remain_hbm, out_data, idx_v, mi, mi2, rows_v,
                    sem):
    wid = lax.axis_index("s") * NC + lax.axis_index("c")

    def row_body(r, carry):
        b = wid * RPW + r
        pltpu.sync_copy(remain_hbm.at[pl.ds(b * NR, NR)], idx_v)

        iota = lax.iota(jnp.int32, LN)
        bvec = jnp.zeros((LN,), jnp.int32) + b
        mi2[...] = bvec
        zeros = jnp.zeros((LN,), jnp.int32)
        plsc.store_scatter(mi, [zeros, zeros], bvec, mask=iota == 0)

        def mi_chunk(c, carry):
            idx16 = idx_v[pl.ds(c * LN, LN)]
            g16 = ((idx16 + 1) << 7) + b
            pos = iota + (c * LN + 1)
            r16 = pos >> 7
            c16 = pos & 127
            plsc.store_scatter(mi, [r16, c16], g16, mask=pos <= 255)
            plsc.store_scatter(mi2, [jnp.maximum(pos - NR, 0)], g16,
                              mask=pos == NR)
            return carry
        lax.fori_loop(0, NR // LN, mi_chunk, 0)

        cp0 = pltpu.async_copy(data_hbm.at[mi.at[0]],
                               rows_v.at[pl.ds(0, 128)], sem)
        cp1 = pltpu.async_copy(data_hbm.at[mi.at[1]],
                               rows_v.at[pl.ds(128, 128)], sem)
        cp2 = pltpu.async_copy(data_hbm.at[mi2.at[pl.ds(0, 8)]],
                               rows_v.at[pl.ds(256, 8)], sem)
        cp0.wait()
        cp1.wait()
        cp2.wait()
        pltpu.sync_copy(rows_v, out_data.at[b])
        return carry

    lax.fori_loop(0, RPW, row_body, 0)


def kernel(data, noise):
    noise_f = lax.bitcast_convert_type(noise, jnp.int32).reshape(B * SEQ)

    mesh = plsc.VectorSubcoreMesh(core_axis_name="c", subcore_axis_name="s")
    out_type = [
        jax.ShapeDtypeStruct((B * NR,), jnp.int32),
        jax.ShapeDtypeStruct((B * NM,), jnp.int32),
        jax.ShapeDtypeStruct((B * SEQ,), jnp.int32),
    ]
    scratch = [
        pltpu.VMEM((SEQ,), jnp.int32),
        pltpu.VMEM((SEQ,), jnp.int32),
        pltpu.VMEM((SEQ,), jnp.int32),
        pltpu.VMEM((SEQ,), jnp.int32),
        pltpu.VMEM((NB,), jnp.int32),
        pltpu.VMEM((NB,), jnp.int32),
        pltpu.VMEM((SEQ,), jnp.int32),
    ]
    sort_run = pl.kernel(_sc_sort_body, out_type=out_type, mesh=mesh,
                         scratch_types=scratch,
                         compiler_params=pltpu.CompilerParams(
                             needs_layout_passes=False,
                             use_tc_tiling_on_sc=False))
    orem, omask, orev = sort_run(noise_f)

    remain_idx = orem.reshape(B, NR)
    masked_idx = omask.reshape(B, NM)
    revert_idx = orev.reshape(B, SEQ)

    data_t = jnp.transpose(data, (1, 2, 0))
    J = 41
    data_rows = pl.pallas_call(
        _tc_transpose_body,
        grid=(L // J,),
        in_specs=[pl.BlockSpec((J, D, B), lambda j: (j, 0, 0))],
        out_specs=pl.BlockSpec((J, B, DP), lambda j: (j, 0, 0)),
        out_shape=jax.ShapeDtypeStruct((L, B, DP), jnp.float32),
    )(data_t).reshape(L * B, DP)

    gather_run = pl.kernel(
        _sc_gather_body,
        out_type=jax.ShapeDtypeStruct((B, KP, DP), jnp.float32),
        mesh=mesh,
        scratch_types=[
            pltpu.VMEM((NR,), jnp.int32),
            pltpu.VMEM((2, 128), jnp.int32),
            pltpu.VMEM((LN,), jnp.int32),
            pltpu.VMEM((KP, DP), jnp.float32),
            pltpu.SemaphoreType.DMA,
        ],
        compiler_params=pltpu.CompilerParams(
            needs_layout_passes=False,
            use_tc_tiling_on_sc=True))
    out_pad = gather_run(data_rows, orem)

    total_remain_data = out_pad[:, :NR + 1, :D]

    total_remain_padding_mask = jnp.ones((B, NR + 1), jnp.float32)
    revert_padding_mask = jnp.ones((B, L), jnp.float32)
    return (total_remain_data, remain_idx, masked_idx, revert_idx,
            total_remain_padding_mask, revert_padding_mask)

# --- scband reference (transcript-rebuilt; emitter-appended) ---
"""Pipeline reference for scband-img-remain-4715874091586 (READ-ONLY COPY).

The authoritative reference and input builder live on the scoring server;
editing this copy changes nothing except your own understanding.
"""

import jax, jax.numpy as jnp
import numpy as np

REMAIN_RTO = 0.25

def setup_inputs(seed: int = 0) -> dict:
    key = jax.random.key(seed)
    k1, k2 = jax.random.split(key)
    data = jax.random.normal(k1, (128, 1025, 192), dtype=jnp.float32)
    noise = jax.random.uniform(k2, (128, 1024), dtype=jnp.float32)
    return {"data": data, "noise": noise}

def reference(data, noise):
    B, L, D = data.shape
    revert_padding_mask = jnp.ones((B, L), dtype=jnp.float32)
    global_token = data[:, :1, :]
    valid_data = data[:, 1:, :]
    global_padding_mask = revert_padding_mask[:, :1]
    valid_padding_mask = revert_padding_mask[:, 1:]
    seq_len = valid_data.shape[1]
    num_remain = int(seq_len * REMAIN_RTO)
    shuffle_idx = jnp.argsort(noise, axis=1)
    remain_idx = shuffle_idx[:, :num_remain]
    masked_idx = shuffle_idx[:, num_remain:]
    revert_idx = jnp.argsort(shuffle_idx, axis=1)
    valid_remain_data = jnp.take_along_axis(valid_data, remain_idx[:, :, None], axis=1)
    total_remain_data = jnp.concatenate([global_token, valid_remain_data], axis=1)
    valid_padding_mask_g = jnp.take_along_axis(valid_padding_mask, remain_idx, axis=1)
    total_remain_padding_mask = jnp.concatenate([global_padding_mask, valid_padding_mask_g], axis=1)
    return (total_remain_data, remain_idx, masked_idx, revert_idx, total_remain_padding_mask, revert_padding_mask)

if __name__ == "__main__":
    import jax
    _d = setup_inputs()
    print(jax.jit(kernel)(*tuple(_d.values())))

</pallas_src>

<mosaic_0001>
#map = affine_map<(d0, d1) -> (0, 0)>
#map1 = affine_map<(d0, d1) -> (0)>
#map2 = affine_map<(d0, d1) -> (0, 0, 0)>
module attributes {stable_mosaic.version = 14 : i64} {
  func.func @_sc_gather_body(%arg0: i32, %arg1: i32, %arg2: memref<131200x256xf32, #tpu.memory_space<hbm>>, %arg3: memref<32768xi32, #tpu.memory_space<hbm>>, %arg4: memref<128x264x256xf32, #tpu.memory_space<hbm>>, %arg5: memref<256xi32, #tpu.memory_space<vmem>>, %arg6: memref<2x128xi32, #tpu.memory_space<vmem>>, %arg7: memref<16xi32, #tpu.memory_space<vmem>>, %arg8: memref<264x256xf32, #tpu.memory_space<vmem>>, %arg9: memref<!tpu.dma_semaphore, #tpu.memory_space<semaphore_mem>>) attributes {dimension_semantics = [#tpu.dimension_semantics<core_parallel>, #tpu.dimension_semantics<subcore_parallel>], iteration_bounds = array<i64: 2, 16>, scalar_prefetch = 0 : i64, scratch_operands = 5 : i64, tpu.core_type = #tpu.core_type<sc_vector_subcore>, window_params = [{transform_indices = #map}, {transform_indices = #map1}, {transform_indices = #map2}]} {
    %mul3A = arith.constant 2 : i32
    %mul3A_0 = arith.muli %arg1, %mul3A : i32
    %add3A = arith.addi %mul3A_0, %arg0 : i32
    %scan3A = arith.constant 0 : i32
    %scan3A_1 = arith.constant 0 : i32
    %scan3A_2 = arith.constant 4 : i32
    %scan3A_3 = arith.addi %scan3A_1, %scan3A_2 : i32
    %scan3A_4 = arith.constant 1 : i32
    scf.for %scan3A_6 = %scan3A_1 to %scan3A_3 step %scan3A_4  : i32 {
      %mul3A_7 = arith.constant 4 : i32
      %mul3A_8 = arith.muli %add3A, %mul3A_7 : i32
      %add3A_9 = arith.addi %mul3A_8, %scan3A_6 : i32
      %mul3A_10 = arith.constant 256 : i32
      %mul3A_11 = arith.muli %add3A_9, %mul3A_10 : i32
      "tpu.region"() ({
        %run_scoped3A = tpu.sem_alloc : memref<!tpu.dma_semaphore, #tpu.memory_space<semaphore_mem>>
        %dma_start3A_80 = tpu.memref_slice %arg3[%mul3A_11] : memref<32768xi32, #tpu.memory_space<hbm>> -> memref<256xi32, #tpu.memory_space<hbm>>
        %dma_start3A_81 = tpu.memref_slice %arg3[%mul3A_11] : memref<32768xi32, #tpu.memory_space<hbm>> -> memref<256xi32, #tpu.memory_space<hbm>>
        tpu.enqueue_dma source(%dma_start3A_81 : memref<256xi32, #tpu.memory_space<hbm>>) target(%arg5 : memref<256xi32, #tpu.memory_space<vmem>>) target_semaphore(%run_scoped3A : memref<!tpu.dma_semaphore, #tpu.memory_space<semaphore_mem>>)
        %dma_wait3A_82 = tpu.memref_slice %arg3[%mul3A_11] : memref<32768xi32, #tpu.memory_space<hbm>> -> memref<256xi32, #tpu.memory_space<hbm>>
        %dma_wait3A_83 = tpu.memref_slice %arg3[%mul3A_11] : memref<32768xi32, #tpu.memory_space<hbm>> -> memref<256xi32, #tpu.memory_space<hbm>>
        tpu.wait_dma2 semaphore(%run_scoped3A : memref<!tpu.dma_semaphore, #tpu.memory_space<semaphore_mem>>) src(%dma_wait3A_83 : memref<256xi32, #tpu.memory_space<hbm>>) dst(%arg5 : memref<256xi32, #tpu.memory_space<vmem>>)
        tpu.yield
      }) : () -> ()
      %iota3A = tpu.iota {dimensions = array<i32: 0>} : vector<16xi32>
      %broadcast_in_dim3A = arith.constant 0 : i32
      %broadcast_in_dim3A_12 = vector.broadcast %broadcast_in_dim3A : i32 to vector<16xi32>
      %add3A_13 = vector.broadcast %add3A_9 : i32 to vector<16xi32>
      %add3A_14 = arith.addi %broadcast_in_dim3A_12, %add3A_13 : vector<16xi32>
      %swap3A = arith.constant 0 : index
      %swap3A_15 = tpu.vector_load %arg7[%swap3A] {strides = array<i32>} : memref<16xi32, #tpu.memory_space<vmem>>, vector<16xi32>,
      tpu.vector_store %arg7[%swap3A], %add3A_14 {strides = array<i32>} : memref<16xi32, #tpu.memory_space<vmem>>, vector<16xi32>,
      %broadcast_in_dim3A_16 = arith.constant 0 : i32
      %broadcast_in_dim3A_17 = vector.broadcast %broadcast_in_dim3A_16 : i32 to vector<16xi32>
      %eq3A = arith.constant 0 : i32
      %eq3A_18 = vector.broadcast %eq3A : i32 to vector<16xi32>
      %eq3A_19 = arith.cmpi eq, %iota3A, %eq3A_18 : vector<16xi32>
      tpu.vector_store_idx %arg6[%broadcast_in_dim3A_17, %broadcast_in_dim3A_17], %add3A_14 masked %eq3A_19 : memref<2x128xi32, #tpu.memory_space<vmem>>[vector<16xi32>, vector<16xi32>], vector<16xi32>, vector<16xi1>
      %scan3A_20 = arith.constant 0 : i32
      %scan3A_21 = arith.constant 0 : i32
      %scan3A_22 = arith.constant 16 : i32
      %scan3A_23 = arith.addi %scan3A_21, %scan3A_22 : i32
      %scan3A_24 = arith.constant 1 : i32
      scf.for %scan3A_80 = %scan3A_21 to %scan3A_23 step %scan3A_24  : i32 {
        %mul3A_81 = arith.constant 16 : i32
        %mul3A_82 = arith.muli %scan3A_80, %mul3A_81 : i32
        %get3A = arith.index_cast %mul3A_82 : i32 to index
        %get3A_83 = tpu.vector_load %arg5[%get3A] {strides = array<i32>} : memref<256xi32, #tpu.memory_space<vmem>>, vector<16xi32>,
        %add3A_84 = arith.constant 1 : i32
        %add3A_85 = vector.broadcast %add3A_84 : i32 to vector<16xi32>
        %add3A_86 = arith.addi %get3A_83, %add3A_85 : vector<16xi32>
        %shift_left3A = arith.constant 7 : i32
        %shift_left3A_87 = vector.broadcast %shift_left3A : i32 to vector<16xi32>
        %shift_left3A_88 = arith.shli %add3A_86, %shift_left3A_87 : vector<16xi32>
        %add3A_89 = vector.broadcast %add3A_9 : i32 to vector<16xi32>
        %add3A_90 = arith.addi %shift_left3A_88, %add3A_89 : vector<16xi32>
        %mul3A_91 = arith.constant 16 : i32
        %mul3A_92 = arith.muli %scan3A_80, %mul3A_91 : i32
        %add3A_93 = arith.constant 1 : i32
        %add3A_94 = arith.addi %mul3A_92, %add3A_93 : i32
        %add3A_95 = vector.broadcast %add3A_94 : i32 to vector<16xi32>
        %add3A_96 = arith.addi %iota3A, %add3A_95 : vector<16xi32>
        %shift_right_arithmetic3A = arith.constant 7 : i32
        %shift_right_arithmetic3A_97 = vector.broadcast %shift_right_arithmetic3A : i32 to vector<16xi32>
        %shift_right_arithmetic3A_98 = arith.shrsi %add3A_96, %shift_right_arithmetic3A_97 : vector<16xi32>
        %and3A = arith.constant 127 : i32
        %and3A_99 = vector.broadcast %and3A : i32 to vector<16xi32>
        %and3A_100 = arith.andi %add3A_96, %and3A_99 : vector<16xi32>
        %le3A = arith.constant 255 : i32
        %le3A_101 = vector.broadcast %le3A : i32 to vector<16xi32>
        %le3A_102 = arith.cmpi sle, %add3A_96, %le3A_101 : vector<16xi32>
        tpu.vector_store_idx %arg6[%shift_right_arithmetic3A_98, %and3A_100], %add3A_90 masked %le3A_102 : memref<2x128xi32, #tpu.memory_space<vmem>>[vector<16xi32>, vector<16xi32>], vector<16xi32>, vector<16xi1>
        %sub3A = arith.constant 256 : i32
        %sub3A_103 = vector.broadcast %sub3A : i32 to vector<16xi32>
        %sub3A_104 = arith.subi %add3A_96, %sub3A_103 : vector<16xi32>
        %max3A = arith.constant 0 : i32
        %max3A_105 = vector.broadcast %max3A : i32 to vector<16xi32>
        %max3A_106 = arith.maxsi %sub3A_104, %max3A_105 : vector<16xi32>
        %eq3A_107 = arith.constant 256 : i32
        %eq3A_108 = vector.broadcast %eq3A_107 : i32 to vector<16xi32>
        %eq3A_109 = arith.cmpi eq, %add3A_96, %eq3A_108 : vector<16xi32>
        tpu.vector_store_idx %arg7[%max3A_106], %add3A_90 masked %eq3A_109 : memref<16xi32, #tpu.memory_space<vmem>>[vector<16xi32>], vector<16xi32>, vector<16xi1>
      }
      %scan3A_25 = arith.constant 16 : i32
      %dma_start3A = arith.constant 0 : i32
      %dma_start3A_26 = arith.constant 0 : i32
      %dma_start3A_27 = arith.constant 0 : i32
      %dma_start3A_28 = tpu.memref_slice %arg8[%dma_start3A_26, %dma_start3A_27] : memref<264x256xf32, #tpu.memory_space<vmem>> -> memref<128x256xf32, #tpu.memory_space<vmem>>
      %dma_start3A_29 = arith.constant 0 : i32
      %dma_start3A_30 = tpu.memref_slice %arg6[%dma_start3A, %dma_start3A_29] : memref<2x128xi32, #tpu.memory_space<vmem>> -> memref<1x128xi32, #tpu.memory_space<vmem>>
      %dma_start3A_31 = tpu.memref_squeeze %dma_start3A_30 : memref<1x128xi32, #tpu.memory_space<vmem>> -> memref<128xi32, #tpu.memory_space<vmem>>
      %dma_start3A_32 = arith.constant 0 : i32
      %dma_start3A_33 = arith.constant 0 : i32
      %dma_start3A_34 = tpu.memref_slice %arg2[%dma_start3A_32, %dma_start3A_33] : memref<131200x256xf32, #tpu.memory_space<hbm>> -> memref<131200x256xf32, #tpu.memory_space<hbm>>
      tpu.enqueue_indirect_dma source(%dma_start3A_34 : memref<131200x256xf32, #tpu.memory_space<hbm>>) target(%dma_start3A_28 : memref<128x256xf32, #tpu.memory_space<vmem>>) offsets(%dma_start3A_31 : memref<128xi32, #tpu.memory_space<vmem>>) semaphore(%arg9 : memref<!tpu.dma_semaphore, #tpu.memory_space<semaphore_mem>>)
      %dma_start3A_35 = arith.constant 1 : i32
      %dma_start3A_36 = arith.constant 128 : i32
      %dma_start3A_37 = arith.constant 0 : i32
      %dma_start3A_38 = tpu.memref_slice %arg8[%dma_start3A_36, %dma_start3A_37] : memref<264x256xf32, #tpu.memory_space<vmem>> -> memref<128x256xf32, #tpu.memory_space<vmem>>
      %dma_start3A_39 = arith.constant 0 : i32
      %dma_start3A_40 = tpu.memref_slice %arg6[%dma_start3A_35, %dma_start3A_39] : memref<2x128xi32, #tpu.memory_space<vmem>> -> memref<1x128xi32, #tpu.memory_space<vmem>>
      %dma_start3A_41 = tpu.memref_squeeze %dma_start3A_40 : memref<1x128xi32, #tpu.memory_space<vmem>> -> memref<128xi32, #tpu.memory_space<vmem>>
      %dma_start3A_42 = arith.constant 0 : i32
      %dma_start3A_43 = arith.constant 0 : i32
      %dma_start3A_44 = tpu.memref_slice %arg2[%dma_start3A_42, %dma_start3A_43] : memref<131200x256xf32, #tpu.memory_space<hbm>> -> memref<131200x256xf32, #tpu.memory_space<hbm>>
      tpu.enqueue_indirect_dma source(%dma_start3A_44 : memref<131200x256xf32, #tpu.memory_space<hbm>>) target(%dma_start3A_38 : memref<128x256xf32, #tpu.memory_space<vmem>>) offsets(%dma_start3A_41 : memref<128xi32, #tpu.memory_space<vmem>>) semaphore(%arg9 : memref<!tpu.dma_semaphore, #tpu.memory_space<semaphore_mem>>)
      %dma_start3A_45 = arith.constant 256 : i32
      %dma_start3A_46 = arith.constant 0 : i32
      %dma_start3A_47 = tpu.memref_slice %arg8[%dma_start3A_45, %dma_start3A_46] : memref<264x256xf32, #tpu.memory_space<vmem>> -> memref<8x256xf32, #tpu.memory_space<vmem>>
      %dma_start3A_48 = arith.constant 0 : i32
      %dma_start3A_49 = tpu.memref_slice %arg7[%dma_start3A_48] : memref<16xi32, #tpu.memory_space<vmem>> -> memref<8xi32, #tpu.memory_space<vmem>>
      %dma_start3A_50 = arith.constant 0 : i32
      %dma_start3A_51 = arith.constant 0 : i32
      %dma_start3A_52 = tpu.memref_slice %arg2[%dma_start3A_50, %dma_start3A_51] : memref<131200x256xf32, #tpu.memory_space<hbm>> -> memref<131200x256xf32, #tpu.memory_space<hbm>>
      tpu.enqueue_indirect_dma source(%dma_start3A_52 : memref<131200x256xf32, #tpu.memory_space<hbm>>) target(%dma_start3A_47 : memref<8x256xf32, #tpu.memory_space<vmem>>) offsets(%dma_start3A_49 : memref<8xi32, #tpu.memory_space<vmem>>) semaphore(%arg9 : memref<!tpu.dma_semaphore, #tpu.memory_space<semaphore_mem>>)
      %dma_wait3A = arith.constant 0 : i32
      %dma_wait3A_53 = arith.constant 0 : i32
      %dma_wait3A_54 = arith.constant 0 : i32
      %dma_wait3A_55 = tpu.memref_slice %arg8[%dma_wait3A_53, %dma_wait3A_54] : memref<264x256xf32, #tpu.memory_space<vmem>> -> memref<128x256xf32, #tpu.memory_space<vmem>>
      %dma_wait3A_56 = arith.constant 0 : i32
      %dma_wait3A_57 = tpu.memref_slice %arg6[%dma_wait3A, %dma_wait3A_56] : memref<2x128xi32, #tpu.memory_space<vmem>> -> memref<1x128xi32, #tpu.memory_space<vmem>>
      %dma_wait3A_58 = tpu.memref_squeeze %dma_wait3A_57 : memref<1x128xi32, #tpu.memory_space<vmem>> -> memref<128xi32, #tpu.memory_space<vmem>>
      %dma_wait3A_59 = arith.constant 0 : i32
      %dma_wait3A_60 = arith.constant 0 : i32
      %dma_wait3A_61 = tpu.memref_slice %arg2[%dma_wait3A_59, %dma_wait3A_60] : memref<131200x256xf32, #tpu.memory_space<hbm>> -> memref<131200x256xf32, #tpu.memory_space<hbm>>
      tpu.wait_indirect_dma semaphore(%arg9 : memref<!tpu.dma_semaphore, #tpu.memory_space<semaphore_mem>>) src(%dma_wait3A_61 : memref<131200x256xf32, #tpu.memory_space<hbm>>) dst(%dma_wait3A_55 : memref<128x256xf32, #tpu.memory_space<vmem>>)
      %dma_wait3A_62 = arith.constant 1 : i32
      %dma_wait3A_63 = arith.constant 128 : i32
      %dma_wait3A_64 = arith.constant 0 : i32
      %dma_wait3A_65 = tpu.memref_slice %arg8[%dma_wait3A_63, %dma_wait3A_64] : memref<264x256xf32, #tpu.memory_space<vmem>> -> memref<128x256xf32, #tpu.memory_space<vmem>>
      %dma_wait3A_66 = arith.constant 0 : i32
      %dma_wait3A_67 = tpu.memref_slice %arg6[%dma_wait3A_62, %dma_wait3A_66] : memref<2x128xi32, #tpu.memory_space<vmem>> -> memref<1x128xi32, #tpu.memory_space<vmem>>
      %dma_wait3A_68 = tpu.memref_squeeze %dma_wait3A_67 : memref<1x128xi32, #tpu.memory_space<vmem>> -> memref<128xi32, #tpu.memory_space<vmem>>
      %dma_wait3A_69 = arith.constant 0 : i32
      %dma_wait3A_70 = arith.constant 0 : i32
      %dma_wait3A_71 = tpu.memref_slice %arg2[%dma_wait3A_69, %dma_wait3A_70] : memref<131200x256xf32, #tpu.memory_space<hbm>> -> memref<131200x256xf32, #tpu.memory_space<hbm>>
      tpu.wait_indirect_dma semaphore(%arg9 : memref<!tpu.dma_semaphore, #tpu.memory_space<semaphore_mem>>) src(%dma_wait3A_71 : memref<131200x256xf32, #tpu.memory_space<hbm>>) dst(%dma_wait3A_65 : memref<128x256xf32, #tpu.memory_space<vmem>>)
      %dma_wait3A_72 = arith.constant 256 : i32
      %dma_wait3A_73 = arith.constant 0 : i32
      %dma_wait3A_74 = tpu.memref_slice %arg8[%dma_wait3A_72, %dma_wait3A_73] : memref<264x256xf32, #tpu.memory_space<vmem>> -> memref<8x256xf32, #tpu.memory_space<vmem>>
      %dma_wait3A_75 = arith.constant 0 : i32
      %dma_wait3A_76 = tpu.memref_slice %arg7[%dma_wait3A_75] : memref<16xi32, #tpu.memory_space<vmem>> -> memref<8xi32, #tpu.memory_space<vmem>>
      %dma_wait3A_77 = arith.constant 0 : i32
      %dma_wait3A_78 = arith.constant 0 : i32
      %dma_wait3A_79 = tpu.memref_slice %arg2[%dma_wait3A_77, %dma_wait3A_78] : memref<131200x256xf32, #tpu.memory_space<hbm>> -> memref<131200x256xf32, #tpu.memory_space<hbm>>
      tpu.wait_indirect_dma semaphore(%arg9 : memref<!tpu.dma_semaphore, #tpu.memory_space<semaphore_mem>>) src(%dma_wait3A_79 : memref<131200x256xf32, #tpu.memory_space<hbm>>) dst(%dma_wait3A_74 : memref<8x256xf32, #tpu.memory_space<vmem>>)
      "tpu.region"() ({
        %run_scoped3A = tpu.sem_alloc : memref<!tpu.dma_semaphore, #tpu.memory_space<semaphore_mem>>
        %dma_start3A_80 = arith.constant 0 : i32
        %dma_start3A_81 = arith.constant 0 : i32
        %dma_start3A_82 = tpu.memref_slice %arg4[%add3A_9, %dma_start3A_80, %dma_start3A_81] : memref<128x264x256xf32, #tpu.memory_space<hbm>> -> memref<1x264x256xf32, #tpu.memory_space<hbm>>
        %dma_start3A_83 = tpu.memref_squeeze %dma_start3A_82 : memref<1x264x256xf32, #tpu.memory_space<hbm>> -> memref<264x256xf32, #tpu.memory_space<hbm>>
        %dma_start3A_84 = arith.constant 0 : i32
        %dma_start3A_85 = arith.constant 0 : i32
        %dma_start3A_86 = tpu.memref_slice %arg4[%add3A_9, %dma_start3A_84, %dma_start3A_85] : memref<128x264x256xf32, #tpu.memory_space<hbm>> -> memref<1x264x256xf32, #tpu.memory_space<hbm>>
        %dma_start3A_87 = tpu.memref_squeeze %dma_start3A_86 : memref<1x264x256xf32, #tpu.memory_space<hbm>> -> memref<264x256xf32, #tpu.memory_space<hbm>>
        tpu.enqueue_dma source(%arg8 : memref<264x256xf32, #tpu.memory_space<vmem>>) target(%dma_start3A_87 : memref<264x256xf32, #tpu.memory_space<hbm>>) target_semaphore(%run_scoped3A : memref<!tpu.dma_semaphore, #tpu.memory_space<semaphore_mem>>)
        %dma_wait3A_88 = arith.constant 0 : i32
        %dma_wait3A_89 = arith.constant 0 : i32
        %dma_wait3A_90 = tpu.memref_slice %arg4[%add3A_9, %dma_wait3A_88, %dma_wait3A_89] : memref<128x264x256xf32, #tpu.memory_space<hbm>> -> memref<1x264x256xf32, #tpu.memory_space<hbm>>
        %dma_wait3A_91 = tpu.memref_squeeze %dma_wait3A_90 : memref<1x264x256xf32, #tpu.memory_space<hbm>> -> memref<264x256xf32, #tpu.memory_space<hbm>>
        %dma_wait3A_92 = arith.constant 0 : i32
        %dma_wait3A_93 = arith.constant 0 : i32
        %dma_wait3A_94 = tpu.memref_slice %arg4[%add3A_9, %dma_wait3A_92, %dma_wait3A_93] : memref<128x264x256xf32, #tpu.memory_space<hbm>> -> memref<1x264x256xf32, #tpu.memory_space<hbm>>
        %dma_wait3A_95 = tpu.memref_squeeze %dma_wait3A_94 : memref<1x264x256xf32, #tpu.memory_space<hbm>> -> memref<264x256xf32, #tpu.memory_space<hbm>>
        tpu.wait_dma2 semaphore(%run_scoped3A : memref<!tpu.dma_semaphore, #tpu.memory_space<semaphore_mem>>) src(%arg8 : memref<264x256xf32, #tpu.memory_space<vmem>>) dst(%dma_wait3A_95 : memref<264x256xf32, #tpu.memory_space<hbm>>)
        tpu.yield
      }) : () -> ()
    }
    %scan3A_5 = arith.constant 4 : i32
    return
  }
}

#map = affine_map<(d0, d1) -> (0)>
module attributes {stable_mosaic.version = 14 : i64} {
  func.func @_sc_sort_body(%arg0: i32, %arg1: i32, %arg2: memref<131072xi32, #tpu.memory_space<hbm>>, %arg3: memref<32768xi32, #tpu.memory_space<hbm>>, %arg4: memref<98304xi32, #tpu.memory_space<hbm>>, %arg5: memref<131072xi32, #tpu.memory_space<hbm>>, %arg6: memref<1024xi32, #tpu.memory_space<vmem>>, %arg7: memref<1024xi32, #tpu.memory_space<vmem>>, %arg8: memref<1024xi32, #tpu.memory_space<vmem>>, %arg9: memref<1024xi32, #tpu.memory_space<vmem>>, %arg10: memref<1024xi32, #tpu.memory_space<vmem>>, %arg11: memref<1024xi32, #tpu.memory_space<vmem>>, %arg12: memref<1024xi32, #tpu.memory_space<vmem>>) attributes {dimension_semantics = [#tpu.dimension_semantics<core_parallel>, #tpu.dimension_semantics<subcore_parallel>], iteration_bounds = array<i64: 2, 16>, scalar_prefetch = 0 : i64, scratch_operands = 7 : i64, tpu.core_type = #tpu.core_type<sc_vector_subcore>, window_params = [{transform_indices = #map}, {transform_indices = #map}, {transform_indices = #map}, {transform_indices = #map}]} {
    %mul3A = arith.constant 2 : i32
    %mul3A_0 = arith.muli %arg1, %mul3A : i32
    %add3A = arith.addi %mul3A_0, %arg0 : i32
    %scan3A = arith.constant 0 : i32
    %scan3A_1 = arith.constant 0 : i32
    %scan3A_2 = arith.constant 4 : i32
    %scan3A_3 = arith.addi %scan3A_1, %scan3A_2 : i32
    %scan3A_4 = arith.constant 1 : i32
    scf.for %scan3A_6 = %scan3A_1 to %scan3A_3 step %scan3A_4  : i32 {
      %mul3A_7 = arith.constant 4 : i32
      %mul3A_8 = arith.muli %add3A, %mul3A_7 : i32
      %add3A_9 = arith.addi %mul3A_8, %scan3A_6 : i32
      %mul3A_10 = arith.constant 1024 : i32
      %mul3A_11 = arith.muli %add3A_9, %mul3A_10 : i32
      "tpu.region"() ({
        %run_scoped3A = tpu.sem_alloc : memref<!tpu.dma_semaphore, #tpu.memory_space<semaphore_mem>>
        %dma_start3A = tpu.memref_slice %arg2[%mul3A_11] : memref<131072xi32, #tpu.memory_space<hbm>> -> memref<1024xi32, #tpu.memory_space<hbm>>
        %dma_start3A_105 = tpu.memref_slice %arg2[%mul3A_11] : memref<131072xi32, #tpu.memory_space<hbm>> -> memref<1024xi32, #tpu.memory_space<hbm>>
        tpu.enqueue_dma source(%dma_start3A_105 : memref<1024xi32, #tpu.memory_space<hbm>>) target(%arg6 : memref<1024xi32, #tpu.memory_space<vmem>>) target_semaphore(%run_scoped3A : memref<!tpu.dma_semaphore, #tpu.memory_space<semaphore_mem>>)
        %dma_wait3A = tpu.memref_slice %arg2[%mul3A_11] : memref<131072xi32, #tpu.memory_space<hbm>> -> memref<1024xi32, #tpu.memory_space<hbm>>
        %dma_wait3A_106 = tpu.memref_slice %arg2[%mul3A_11] : memref<131072xi32, #tpu.memory_space<hbm>> -> memref<1024xi32, #tpu.memory_space<hbm>>
        tpu.wait_dma2 semaphore(%run_scoped3A : memref<!tpu.dma_semaphore, #tpu.memory_space<semaphore_mem>>) src(%dma_wait3A_106 : memref<1024xi32, #tpu.memory_space<hbm>>) dst(%arg6 : memref<1024xi32, #tpu.memory_space<vmem>>)
        tpu.yield
      }) : () -> ()
      %scan3A_12 = arith.constant 0 : i32
      %scan3A_13 = arith.constant 0 : i32
      %scan3A_14 = arith.constant 64 : i32
      %scan3A_15 = arith.addi %scan3A_13, %scan3A_14 : i32
      %scan3A_16 = arith.constant 1 : i32
      scf.for %scan3A_105 = %scan3A_13 to %scan3A_15 step %scan3A_16  : i32 {
        %iota3A = tpu.iota {dimensions = array<i32: 0>} : vector<16xi32>
        %mul3A_106 = arith.constant 16 : i32
        %mul3A_107 = arith.muli %scan3A_105, %mul3A_106 : i32
        %add3A_108 = vector.broadcast %mul3A_107 : i32 to vector<16xi32>
        %add3A_109 = arith.addi %iota3A, %add3A_108 : vector<16xi32>
        %mul3A_110 = arith.constant 16 : i32
        %mul3A_111 = arith.muli %scan3A_105, %mul3A_110 : i32
        %swap3A = arith.index_cast %mul3A_111 : i32 to index
        %swap3A_112 = tpu.vector_load %arg7[%swap3A] {strides = array<i32>} : memref<1024xi32, #tpu.memory_space<vmem>>, vector<16xi32>,
        tpu.vector_store %arg7[%swap3A], %add3A_109 {strides = array<i32>} : memref<1024xi32, #tpu.memory_space<vmem>>, vector<16xi32>,
      }
      %scan3A_17 = arith.constant 64 : i32
      %scan3A_18 = arith.constant 0 : i32
      %scan3A_19 = arith.constant 0 : i32
      %scan3A_20 = arith.constant 64 : i32
      %scan3A_21 = arith.addi %scan3A_19, %scan3A_20 : i32
      %scan3A_22 = arith.constant 1 : i32
      scf.for %scan3A_105 = %scan3A_19 to %scan3A_21 step %scan3A_22  : i32 {
        %broadcast_in_dim3A = arith.constant 0 : i32
        %broadcast_in_dim3A_106 = vector.broadcast %broadcast_in_dim3A : i32 to vector<16xi32>
        %mul3A_107 = arith.constant 16 : i32
        %mul3A_108 = arith.muli %scan3A_105, %mul3A_107 : i32
        %swap3A = arith.index_cast %mul3A_108 : i32 to index
        %swap3A_109 = tpu.vector_load %arg10[%swap3A] {strides = array<i32>} : memref<1024xi32, #tpu.memory_space<vmem>>, vector<16xi32>,
        tpu.vector_store %arg10[%swap3A], %broadcast_in_dim3A_106 {strides = array<i32>} : memref<1024xi32, #tpu.memory_space<vmem>>, vector<16xi32>,
      }
      %scan3A_23 = arith.constant 64 : i32
      %scan3A_24 = arith.constant 0 : i32
      %scan3A_25 = arith.constant 0 : i32
      %scan3A_26 = arith.constant 64 : i32
      %scan3A_27 = arith.addi %scan3A_25, %scan3A_26 : i32
      %scan3A_28 = arith.constant 1 : i32
      scf.for %scan3A_105 = %scan3A_25 to %scan3A_27 step %scan3A_28  : i32 {
        %mul3A_106 = arith.constant 16 : i32
        %mul3A_107 = arith.muli %scan3A_105, %mul3A_106 : i32
        %get3A = arith.index_cast %mul3A_107 : i32 to index
        %get3A_108 = tpu.vector_load %arg6[%get3A] {strides = array<i32>} : memref<1024xi32, #tpu.memory_space<vmem>>, vector<16xi32>,
        %shift_right_arithmetic3A = arith.constant 0 : i32
        %shift_right_arithmetic3A_109 = vector.broadcast %shift_right_arithmetic3A : i32 to vector<16xi32>
        %shift_right_arithmetic3A_110 = arith.shrsi %get3A_108, %shift_right_arithmetic3A_109 : vector<16xi32>
        %and3A = arith.constant 1023 : i32
        %and3A_111 = vector.broadcast %and3A : i32 to vector<16xi32>
        %and3A_112 = arith.andi %shift_right_arithmetic3A_110, %and3A_111 : vector<16xi32>
        %broadcast_in_dim3A = arith.constant true
        %broadcast_in_dim3A_113 = vector.broadcast %broadcast_in_dim3A : i1 to vector<16xi1>
        %unique3A, %unique3A_114 = tpu.scan_count mask(%broadcast_in_dim3A_113 : vector<16xi1>) value(%and3A_112 : vector<16xi32>) : vector<16xi1>, vector<16xi32>
        tpu.vector_store_idx %arg10[%and3A_112], %unique3A_114 masked %unique3A {add = true} : memref<1024xi32, #tpu.memory_space<vmem>>[vector<16xi32>], vector<16xi32>, vector<16xi1>
      }
      %scan3A_29 = arith.constant 64 : i32
      %scan3A_30 = arith.constant 0 : i32
      %scan3A_31 = arith.constant 0 : i32
      %scan3A_32 = arith.constant 64 : i32
      %scan3A_33 = arith.addi %scan3A_31, %scan3A_32 : i32
      %scan3A_34 = arith.constant 1 : i32
      %scan3A_35 = scf.for %scan3A_105 = %scan3A_31 to %scan3A_33 step %scan3A_34 iter_args(%scan3A_106 = %scan3A_30) -> (i32)  : i32 {
        %mul3A_107 = arith.constant 16 : i32
        %mul3A_108 = arith.muli %scan3A_105, %mul3A_107 : i32
        %get3A = arith.index_cast %mul3A_108 : i32 to index
        %get3A_109 = tpu.vector_load %arg10[%get3A] {strides = array<i32>} : memref<1024xi32, #tpu.memory_space<vmem>>, vector<16xi32>,
        %broadcast_in_dim3A = arith.constant true
        %broadcast_in_dim3A_110 = vector.broadcast %broadcast_in_dim3A : i1 to vector<16xi1>
        %masked_cumsum3A = tpu.scan <sum>, %get3A_109 masked %broadcast_in_dim3A_110 : vector<16xi32>, vector<16xi1> -> vector<16xi32>
        %sub3A = arith.subi %masked_cumsum3A, %get3A_109 : vector<16xi32>
        %add3A_111 = vector.broadcast %scan3A_106 : i32 to vector<16xi32>
        %add3A_112 = arith.addi %sub3A, %add3A_111 : vector<16xi32>
        %mul3A_113 = arith.constant 16 : i32
        %mul3A_114 = arith.muli %scan3A_105, %mul3A_113 : i32
        %swap3A = arith.index_cast %mul3A_114 : i32 to index
        %swap3A_115 = tpu.vector_load %arg11[%swap3A] {strides = array<i32>} : memref<1024xi32, #tpu.memory_space<vmem>>, vector<16xi32>,
        tpu.vector_store %arg11[%swap3A], %add3A_112 {strides = array<i32>} : memref<1024xi32, #tpu.memory_space<vmem>>, vector<16xi32>,
        %reduce_sum3A = arith.constant true
        %reduce_sum3A_116 = vector.broadcast %reduce_sum3A : i1 to vector<16xi1>
        %reduce_sum3A_117 = tpu.scan <sum>, %get3A_109 masked %reduce_sum3A_116 : vector<16xi32>, vector<16xi1> -> vector<16xi32>
        %reduce_sum3A_118 = vector.extract %reduce_sum3A_117[15] : i32 from vector<16xi32>
        %add3A_119 = arith.addi %scan3A_106, %reduce_sum3A_118 : i32
        scf.yield %add3A_119 : i32
      }
      %scan3A_36 = arith.constant 64 : i32
      %scan3A_37 = arith.constant 0 : i32
      %scan3A_38 = arith.constant 0 : i32
      %scan3A_39 = arith.constant 64 : i32
      %scan3A_40 = arith.addi %scan3A_38, %scan3A_39 : i32
      %scan3A_41 = arith.constant 1 : i32
      scf.for %scan3A_105 = %scan3A_38 to %scan3A_40 step %scan3A_41  : i32 {
        %mul3A_106 = arith.constant 16 : i32
        %mul3A_107 = arith.muli %scan3A_105, %mul3A_106 : i32
        %get3A = arith.index_cast %mul3A_107 : i32 to index
        %get3A_108 = tpu.vector_load %arg6[%get3A] {strides = array<i32>} : memref<1024xi32, #tpu.memory_space<vmem>>, vector<16xi32>,
        %mul3A_109 = arith.constant 16 : i32
        %mul3A_110 = arith.muli %scan3A_105, %mul3A_109 : i32
        %get3A_111 = arith.index_cast %mul3A_110 : i32 to index
        %get3A_112 = tpu.vector_load %arg7[%get3A_111] {strides = array<i32>} : memref<1024xi32, #tpu.memory_space<vmem>>, vector<16xi32>,
        %shift_right_arithmetic3A = arith.constant 0 : i32
        %shift_right_arithmetic3A_113 = vector.broadcast %shift_right_arithmetic3A : i32 to vector<16xi32>
        %shift_right_arithmetic3A_114 = arith.shrsi %get3A_108, %shift_right_arithmetic3A_113 : vector<16xi32>
        %and3A = arith.constant 1023 : i32
        %and3A_115 = vector.broadcast %and3A : i32 to vector<16xi32>
        %and3A_116 = arith.andi %shift_right_arithmetic3A_114, %and3A_115 : vector<16xi32>
        %broadcast_in_dim3A = arith.constant true
        %broadcast_in_dim3A_117 = vector.broadcast %broadcast_in_dim3A : i1 to vector<16xi1>
        %unique3A, %unique3A_118 = tpu.scan_count mask(%broadcast_in_dim3A_117 : vector<16xi1>) value(%and3A_116 : vector<16xi32>) : vector<16xi1>, vector<16xi32>
        %gather3A = tpu.vector_load_idx %arg11[%and3A_116] : memref<1024xi32, #tpu.memory_space<vmem>>[vector<16xi32>], vector<16xi32>,
        %add3A_119 = arith.addi %gather3A, %unique3A_118 : vector<16xi32>
        %sub3A = arith.constant 1 : i32
        %sub3A_120 = vector.broadcast %sub3A : i32 to vector<16xi32>
        %sub3A_121 = arith.subi %add3A_119, %sub3A_120 : vector<16xi32>
        tpu.vector_store_idx %arg8[%sub3A_121], %get3A_108 : memref<1024xi32, #tpu.memory_space<vmem>>[vector<16xi32>], vector<16xi32>,
        tpu.vector_store_idx %arg9[%sub3A_121], %get3A_112 : memref<1024xi32, #tpu.memory_space<vmem>>[vector<16xi32>], vector<16xi32>,
        tpu.vector_store_idx %arg11[%and3A_116], %unique3A_118 masked %unique3A {add = true} : memref<1024xi32, #tpu.memory_space<vmem>>[vector<16xi32>], vector<16xi32>, vector<16xi1>
      }
      %scan3A_42 = arith.constant 64 : i32
      %scan3A_43 = arith.constant 0 : i32
      %scan3A_44 = arith.constant 0 : i32
      %scan3A_45 = arith.constant 64 : i32
      %scan3A_46 = arith.addi %scan3A_44, %scan3A_45 : i32
      %scan3A_47 = arith.constant 1 : i32
      scf.for %scan3A_105 = %scan3A_44 to %scan3A_46 step %scan3A_47  : i32 {
        %broadcast_in_dim3A = arith.constant 0 : i32
        %broadcast_in_dim3A_106 = vector.broadcast %broadcast_in_dim3A : i32 to vector<16xi32>
        %mul3A_107 = arith.constant 16 : i32
        %mul3A_108 = arith.muli %scan3A_105, %mul3A_107 : i32
        %swap3A = arith.index_cast %mul3A_108 : i32 to index
        %swap3A_109 = tpu.vector_load %arg10[%swap3A] {strides = array<i32>} : memref<1024xi32, #tpu.memory_space<vmem>>, vector<16xi32>,
        tpu.vector_store %arg10[%swap3A], %broadcast_in_dim3A_106 {strides = array<i32>} : memref<1024xi32, #tpu.memory_space<vmem>>, vector<16xi32>,
      }
      %scan3A_48 = arith.constant 64 : i32
      %scan3A_49 = arith.constant 0 : i32
      %scan3A_50 = arith.constant 0 : i32
      %scan3A_51 = arith.constant 64 : i32
      %scan3A_52 = arith.addi %scan3A_50, %scan3A_51 : i32
      %scan3A_53 = arith.constant 1 : i32
      scf.for %scan3A_105 = %scan3A_50 to %scan3A_52 step %scan3A_53  : i32 {
        %mul3A_106 = arith.constant 16 : i32
        %mul3A_107 = arith.muli %scan3A_105, %mul3A_106 : i32
        %get3A = arith.index_cast %mul3A_107 : i32 to index
        %get3A_108 = tpu.vector_load %arg8[%get3A] {strides = array<i32>} : memref<1024xi32, #tpu.memory_space<vmem>>, vector<16xi32>,
        %shift_right_arithmetic3A = arith.constant 10 : i32
        %shift_right_arithmetic3A_109 = vector.broadcast %shift_right_arithmetic3A : i32 to vector<16xi32>
        %shift_right_arithmetic3A_110 = arith.shrsi %get3A_108, %shift_right_arithmetic3A_109 : vector<16xi32>
        %and3A = arith.constant 1023 : i32
        %and3A_111 = vector.broadcast %and3A : i32 to vector<16xi32>
        %and3A_112 = arith.andi %shift_right_arithmetic3A_110, %and3A_111 : vector<16xi32>
        %broadcast_in_dim3A = arith.constant true
        %broadcast_in_dim3A_113 = vector.broadcast %broadcast_in_dim3A : i1 to vector<16xi1>
        %unique3A, %unique3A_114 = tpu.scan_count mask(%broadcast_in_dim3A_113 : vector<16xi1>) value(%and3A_112 : vector<16xi32>) : vector<16xi1>, vector<16xi32>
        tpu.vector_store_idx %arg10[%and3A_112], %unique3A_114 masked %unique3A {add = true} : memref<1024xi32, #tpu.memory_space<vmem>>[vector<16xi32>], vector<16xi32>, vector<16xi1>
      }
      %scan3A_54 = arith.constant 64 : i32
      %scan3A_55 = arith.constant 0 : i32
      %scan3A_56 = arith.constant 0 : i32
      %scan3A_57 = arith.constant 64 : i32
      %scan3A_58 = arith.addi %scan3A_56, %scan3A_57 : i32
      %scan3A_59 = arith.constant 1 : i32
      %scan3A_60 = scf.for %scan3A_105 = %scan3A_56 to %scan3A_58 step %scan3A_59 iter_args(%scan3A_106 = %scan3A_55) -> (i32)  : i32 {
        %mul3A_107 = arith.constant 16 : i32
        %mul3A_108 = arith.muli %scan3A_105, %mul3A_107 : i32
        %get3A = arith.index_cast %mul3A_108 : i32 to index
        %get3A_109 = tpu.vector_load %arg10[%get3A] {strides = array<i32>} : memref<1024xi32, #tpu.memory_space<vmem>>, vector<16xi32>,
        %broadcast_in_dim3A = arith.constant true
        %broadcast_in_dim3A_110 = vector.broadcast %broadcast_in_dim3A : i1 to vector<16xi1>
        %masked_cumsum3A = tpu.scan <sum>, %get3A_109 masked %broadcast_in_dim3A_110 : vector<16xi32>, vector<16xi1> -> vector<16xi32>
        %sub3A = arith.subi %masked_cumsum3A, %get3A_109 : vector<16xi32>
        %add3A_111 = vector.broadcast %scan3A_106 : i32 to vector<16xi32>
        %add3A_112 = arith.addi %sub3A, %add3A_111 : vector<16xi32>
        %mul3A_113 = arith.constant 16 : i32
        %mul3A_114 = arith.muli %scan3A_105, %mul3A_113 : i32
        %swap3A = arith.index_cast %mul3A_114 : i32 to index
        %swap3A_115 = tpu.vector_load %arg11[%swap3A] {strides = array<i32>} : memref<1024xi32, #tpu.memory_space<vmem>>, vector<16xi32>,
        tpu.vector_store %arg11[%swap3A], %add3A_112 {strides = array<i32>} : memref<1024xi32, #tpu.memory_space<vmem>>, vector<16xi32>,
        %reduce_sum3A = arith.constant true
        %reduce_sum3A_116 = vector.broadcast %reduce_sum3A : i1 to vector<16xi1>
        %reduce_sum3A_117 = tpu.scan <sum>, %get3A_109 masked %reduce_sum3A_116 : vector<16xi32>, vector<16xi1> -> vector<16xi32>
        %reduce_sum3A_118 = vector.extract %reduce_sum3A_117[15] : i32 from vector<16xi32>
        %add3A_119 = arith.addi %scan3A_106, %reduce_sum3A_118 : i32
        scf.yield %add3A_119 : i32
      }
      %scan3A_61 = arith.constant 64 : i32
      %scan3A_62 = arith.constant 0 : i32
      %scan3A_63 = arith.constant 0 : i32
      %scan3A_64 = arith.constant 64 : i32
      %scan3A_65 = arith.addi %scan3A_63, %scan3A_64 : i32
      %scan3A_66 = arith.constant 1 : i32
      scf.for %scan3A_105 = %scan3A_63 to %scan3A_65 step %scan3A_66  : i32 {
        %mul3A_106 = arith.constant 16 : i32
        %mul3A_107 = arith.muli %scan3A_105, %mul3A_106 : i32
        %get3A = arith.index_cast %mul3A_107 : i32 to index
        %get3A_108 = tpu.vector_load %arg8[%get3A] {strides = array<i32>} : memref<1024xi32, #tpu.memory_space<vmem>>, vector<16xi32>,
        %mul3A_109 = arith.constant 16 : i32
        %mul3A_110 = arith.muli %scan3A_105, %mul3A_109 : i32
        %get3A_111 = arith.index_cast %mul3A_110 : i32 to index
        %get3A_112 = tpu.vector_load %arg9[%get3A_111] {strides = array<i32>} : memref<1024xi32, #tpu.memory_space<vmem>>, vector<16xi32>,
        %shift_right_arithmetic3A = arith.constant 10 : i32
        %shift_right_arithmetic3A_113 = vector.broadcast %shift_right_arithmetic3A : i32 to vector<16xi32>
        %shift_right_arithmetic3A_114 = arith.shrsi %get3A_108, %shift_right_arithmetic3A_113 : vector<16xi32>
        %and3A = arith.constant 1023 : i32
        %and3A_115 = vector.broadcast %and3A : i32 to vector<16xi32>
        %and3A_116 = arith.andi %shift_right_arithmetic3A_114, %and3A_115 : vector<16xi32>
        %broadcast_in_dim3A = arith.constant true
        %broadcast_in_dim3A_117 = vector.broadcast %broadcast_in_dim3A : i1 to vector<16xi1>
        %unique3A, %unique3A_118 = tpu.scan_count mask(%broadcast_in_dim3A_117 : vector<16xi1>) value(%and3A_116 : vector<16xi32>) : vector<16xi1>, vector<16xi32>
        %gather3A = tpu.vector_load_idx %arg11[%and3A_116] : memref<1024xi32, #tpu.memory_space<vmem>>[vector<16xi32>], vector<16xi32>,
        %add3A_119 = arith.addi %gather3A, %unique3A_118 : vector<16xi32>
        %sub3A = arith.constant 1 : i32
        %sub3A_120 = vector.broadcast %sub3A : i32 to vector<16xi32>
        %sub3A_121 = arith.subi %add3A_119, %sub3A_120 : vector<16xi32>
        tpu.vector_store_idx %arg6[%sub3A_121], %get3A_108 : memref<1024xi32, #tpu.memory_space<vmem>>[vector<16xi32>], vector<16xi32>,
        tpu.vector_store_idx %arg7[%sub3A_121], %get3A_112 : memref<1024xi32, #tpu.memory_space<vmem>>[vector<16xi32>], vector<16xi32>,
        tpu.vector_store_idx %arg11[%and3A_116], %unique3A_118 masked %unique3A {add = true} : memref<1024xi32, #tpu.memory_space<vmem>>[vector<16xi32>], vector<16xi32>, vector<16xi1>
      }
      %scan3A_67 = arith.constant 64 : i32
      %scan3A_68 = arith.constant 0 : i32
      %scan3A_69 = arith.constant 0 : i32
      %scan3A_70 = arith.constant 64 : i32
      %scan3A_71 = arith.addi %scan3A_69, %scan3A_70 : i32
      %scan3A_72 = arith.constant 1 : i32
      scf.for %scan3A_105 = %scan3A_69 to %scan3A_71 step %scan3A_72  : i32 {
        %broadcast_in_dim3A = arith.constant 0 : i32
        %broadcast_in_dim3A_106 = vector.broadcast %broadcast_in_dim3A : i32 to vector<16xi32>
        %mul3A_107 = arith.constant 16 : i32
        %mul3A_108 = arith.muli %scan3A_105, %mul3A_107 : i32
        %swap3A = arith.index_cast %mul3A_108 : i32 to index
        %swap3A_109 = tpu.vector_load %arg10[%swap3A] {strides = array<i32>} : memref<1024xi32, #tpu.memory_space<vmem>>, vector<16xi32>,
        tpu.vector_store %arg10[%swap3A], %broadcast_in_dim3A_106 {strides = array<i32>} : memref<1024xi32, #tpu.memory_space<vmem>>, vector<16xi32>,
      }
      %scan3A_73 = arith.constant 64 : i32
      %scan3A_74 = arith.constant 0 : i32
      %scan3A_75 = arith.constant 0 : i32
      %scan3A_76 = arith.constant 64 : i32
      %scan3A_77 = arith.addi %scan3A_75, %scan3A_76 : i32
      %scan3A_78 = arith.constant 1 : i32
      scf.for %scan3A_105 = %scan3A_75 to %scan3A_77 step %scan3A_78  : i32 {
        %mul3A_106 = arith.constant 16 : i32
        %mul3A_107 = arith.muli %scan3A_105, %mul3A_106 : i32
        %get3A = arith.index_cast %mul3A_107 : i32 to index
        %get3A_108 = tpu.vector_load %arg6[%get3A] {strides = array<i32>} : memref<1024xi32, #tpu.memory_space<vmem>>, vector<16xi32>,
        %shift_right_arithmetic3A = arith.constant 20 : i32
        %shift_right_arithmetic3A_109 = vector.broadcast %shift_right_arithmetic3A : i32 to vector<16xi32>
        %shift_right_arithmetic3A_110 = arith.shrsi %get3A_108, %shift_right_arithmetic3A_109 : vector<16xi32>
        %and3A = arith.constant 1023 : i32
        %and3A_111 = vector.broadcast %and3A : i32 to vector<16xi32>
        %and3A_112 = arith.andi %shift_right_arithmetic3A_110, %and3A_111 : vector<16xi32>
        %broadcast_in_dim3A = arith.constant true
        %broadcast_in_dim3A_113 = vector.broadcast %broadcast_in_dim3A : i1 to vector<16xi1>
        %unique3A, %unique3A_114 = tpu.scan_count mask(%broadcast_in_dim3A_113 : vector<16xi1>) value(%and3A_112 : vector<16xi32>) : vector<16xi1>, vector<16xi32>
        tpu.vector_store_idx %arg10[%and3A_112], %unique3A_114 masked %unique3A {add = true} : memref<1024xi32, #tpu.memory_space<vmem>>[vector<16xi32>], vector<16xi32>, vector<16xi1>
      }
      %scan3A_79 = arith.constant 64 : i32
      %scan3A_80 = arith.constant 0 : i32
      %scan3A_81 = arith.constant 0 : i32
      %scan3A_82 = arith.constant 64 : i32
      %scan3A_83 = arith.addi %scan3A_81, %scan3A_82 : i32
      %scan3A_84 = arith.constant 1 : i32
      %scan3A_85 = scf.for %scan3A_105 = %scan3A_81 to %scan3A_83 step %scan3A_84 iter_args(%scan3A_106 = %scan3A_80) -> (i32)  : i32 {
        %mul3A_107 = arith.constant 16 : i32
        %mul3A_108 = arith.muli %scan3A_105, %mul3A_107 : i32
        %get3A = arith.index_cast %mul3A_108 : i32 to index
        %get3A_109 = tpu.vector_load %arg10[%get3A] {strides = array<i32>} : memref<1024xi32, #tpu.memory_space<vmem>>, vector<16xi32>,
        %broadcast_in_dim3A = arith.constant true
        %broadcast_in_dim3A_110 = vector.broadcast %broadcast_in_dim3A : i1 to vector<16xi1>
        %masked_cumsum3A = tpu.scan <sum>, %get3A_109 masked %broadcast_in_dim3A_110 : vector<16xi32>, vector<16xi1> -> vector<16xi32>
        %sub3A = arith.subi %masked_cumsum3A, %get3A_109 : vector<16xi32>
        %add3A_111 = vector.broadcast %scan3A_106 : i32 to vector<16xi32>
        %add3A_112 = arith.addi %sub3A, %add3A_111 : vector<16xi32>
        %mul3A_113 = arith.constant 16 : i32
        %mul3A_114 = arith.muli %scan3A_105, %mul3A_113 : i32
        %swap3A = arith.index_cast %mul3A_114 : i32 to index
        %swap3A_115 = tpu.vector_load %arg11[%swap3A] {strides = array<i32>} : memref<1024xi32, #tpu.memory_space<vmem>>, vector<16xi32>,
        tpu.vector_store %arg11[%swap3A], %add3A_112 {strides = array<i32>} : memref<1024xi32, #tpu.memory_space<vmem>>, vector<16xi32>,
        %reduce_sum3A = arith.constant true
        %reduce_sum3A_116 = vector.broadcast %reduce_sum3A : i1 to vector<16xi1>
        %reduce_sum3A_117 = tpu.scan <sum>, %get3A_109 masked %reduce_sum3A_116 : vector<16xi32>, vector<16xi1> -> vector<16xi32>
        %reduce_sum3A_118 = vector.extract %reduce_sum3A_117[15] : i32 from vector<16xi32>
        %add3A_119 = arith.addi %scan3A_106, %reduce_sum3A_118 : i32
        scf.yield %add3A_119 : i32
      }
      %scan3A_86 = arith.constant 64 : i32
      %scan3A_87 = arith.constant 0 : i32
      %scan3A_88 = arith.constant 0 : i32
      %scan3A_89 = arith.constant 64 : i32
      %scan3A_90 = arith.addi %scan3A_88, %scan3A_89 : i32
      %scan3A_91 = arith.constant 1 : i32
      scf.for %scan3A_105 = %scan3A_88 to %scan3A_90 step %scan3A_91  : i32 {
        %mul3A_106 = arith.constant 16 : i32
        %mul3A_107 = arith.muli %scan3A_105, %mul3A_106 : i32
        %get3A = arith.index_cast %mul3A_107 : i32 to index
        %get3A_108 = tpu.vector_load %arg6[%get3A] {strides = array<i32>} : memref<1024xi32, #tpu.memory_space<vmem>>, vector<16xi32>,
        %mul3A_109 = arith.constant 16 : i32
        %mul3A_110 = arith.muli %scan3A_105, %mul3A_109 : i32
        %get3A_111 = arith.index_cast %mul3A_110 : i32 to index
        %get3A_112 = tpu.vector_load %arg7[%get3A_111] {strides = array<i32>} : memref<1024xi32, #tpu.memory_space<vmem>>, vector<16xi32>,
        %shift_right_arithmetic3A = arith.constant 20 : i32
        %shift_right_arithmetic3A_113 = vector.broadcast %shift_right_arithmetic3A : i32 to vector<16xi32>
        %shift_right_arithmetic3A_114 = arith.shrsi %get3A_108, %shift_right_arithmetic3A_113 : vector<16xi32>
        %and3A = arith.constant 1023 : i32
        %and3A_115 = vector.broadcast %and3A : i32 to vector<16xi32>
        %and3A_116 = arith.andi %shift_right_arithmetic3A_114, %and3A_115 : vector<16xi32>
        %broadcast_in_dim3A = arith.constant true
        %broadcast_in_dim3A_117 = vector.broadcast %broadcast_in_dim3A : i1 to vector<16xi1>
        %unique3A, %unique3A_118 = tpu.scan_count mask(%broadcast_in_dim3A_117 : vector<16xi1>) value(%and3A_116 : vector<16xi32>) : vector<16xi1>, vector<16xi32>
        %gather3A = tpu.vector_load_idx %arg11[%and3A_116] : memref<1024xi32, #tpu.memory_space<vmem>>[vector<16xi32>], vector<16xi32>,
        %add3A_119 = arith.addi %gather3A, %unique3A_118 : vector<16xi32>
        %sub3A = arith.constant 1 : i32
        %sub3A_120 = vector.broadcast %sub3A : i32 to vector<16xi32>
        %sub3A_121 = arith.subi %add3A_119, %sub3A_120 : vector<16xi32>
        tpu.vector_store_idx %arg8[%sub3A_121], %get3A_108 : memref<1024xi32, #tpu.memory_space<vmem>>[vector<16xi32>], vector<16xi32>,
        tpu.vector_store_idx %arg9[%sub3A_121], %get3A_112 : memref<1024xi32, #tpu.memory_space<vmem>>[vector<16xi32>], vector<16xi32>,
        tpu.vector_store_idx %arg11[%and3A_116], %unique3A_118 masked %unique3A {add = true} : memref<1024xi32, #tpu.memory_space<vmem>>[vector<16xi32>], vector<16xi32>, vector<16xi1>
      }
      %scan3A_92 = arith.constant 64 : i32
      %scan3A_93 = arith.constant 0 : i32
      %scan3A_94 = arith.constant 0 : i32
      %scan3A_95 = arith.constant 64 : i32
      %scan3A_96 = arith.addi %scan3A_94, %scan3A_95 : i32
      %scan3A_97 = arith.constant 1 : i32
      scf.for %scan3A_105 = %scan3A_94 to %scan3A_96 step %scan3A_97  : i32 {
        %mul3A_106 = arith.constant 16 : i32
        %mul3A_107 = arith.muli %scan3A_105, %mul3A_106 : i32
        %get3A = arith.index_cast %mul3A_107 : i32 to index
        %get3A_108 = tpu.vector_load %arg9[%get3A] {strides = array<i32>} : memref<1024xi32, #tpu.memory_space<vmem>>, vector<16xi32>,
        %iota3A = tpu.iota {dimensions = array<i32: 0>} : vector<16xi32>
        %mul3A_109 = arith.constant 16 : i32
        %mul3A_110 = arith.muli %scan3A_105, %mul3A_109 : i32
        %add3A_111 = vector.broadcast %mul3A_110 : i32 to vector<16xi32>
        %add3A_112 = arith.addi %iota3A, %add3A_111 : vector<16xi32>
        tpu.vector_store_idx %arg12[%get3A_108], %add3A_112 : memref<1024xi32, #tpu.memory_space<vmem>>[vector<16xi32>], vector<16xi32>,
      }
      %scan3A_98 = arith.constant 64 : i32
      %mul3A_99 = arith.constant 1024 : i32
      %mul3A_100 = arith.muli %add3A_9, %mul3A_99 : i32
      "tpu.region"() ({
        %run_scoped3A = tpu.sem_alloc : memref<!tpu.dma_semaphore, #tpu.memory_space<semaphore_mem>>
        %dma_start3A = tpu.memref_slice %arg5[%mul3A_100] : memref<131072xi32, #tpu.memory_space<hbm>> -> memref<1024xi32, #tpu.memory_space<hbm>>
        %dma_start3A_105 = tpu.memref_slice %arg5[%mul3A_100] : memref<131072xi32, #tpu.memory_space<hbm>> -> memref<1024xi32, #tpu.memory_space<hbm>>
        tpu.enqueue_dma source(%arg12 : memref<1024xi32, #tpu.memory_space<vmem>>) target(%dma_start3A_105 : memref<1024xi32, #tpu.memory_space<hbm>>) target_semaphore(%run_scoped3A : memref<!tpu.dma_semaphore, #tpu.memory_space<semaphore_mem>>)
        %dma_wait3A = tpu.memref_slice %arg5[%mul3A_100] : memref<131072xi32, #tpu.memory_space<hbm>> -> memref<1024xi32, #tpu.memory_space<hbm>>
        %dma_wait3A_106 = tpu.memref_slice %arg5[%mul3A_100] : memref<131072xi32, #tpu.memory_space<hbm>> -> memref<1024xi32, #tpu.memory_space<hbm>>
        tpu.wait_dma2 semaphore(%run_scoped3A : memref<!tpu.dma_semaphore, #tpu.memory_space<semaphore_mem>>) src(%arg12 : memref<1024xi32, #tpu.memory_space<vmem>>) dst(%dma_wait3A_106 : memref<1024xi32, #tpu.memory_space<hbm>>)
        tpu.yield
      }) : () -> ()
      %mul3A_101 = arith.constant 256 : i32
      %mul3A_102 = arith.muli %add3A_9, %mul3A_101 : i32
      "tpu.region"() ({
        %run_scoped3A = tpu.sem_alloc : memref<!tpu.dma_semaphore, #tpu.memory_space<semaphore_mem>>
        %dma_start3A = arith.constant 0 : i32
        %dma_start3A_105 = tpu.memref_slice %arg9[%dma_start3A] : memref<1024xi32, #tpu.memory_space<vmem>> -> memref<256xi32, #tpu.memory_space<vmem>>
        %dma_start3A_106 = tpu.memref_slice %arg3[%mul3A_102] : memref<32768xi32, #tpu.memory_space<hbm>> -> memref<256xi32, #tpu.memory_space<hbm>>
        %dma_start3A_107 = tpu.memref_slice %arg3[%mul3A_102] : memref<32768xi32, #tpu.memory_space<hbm>> -> memref<256xi32, #tpu.memory_space<hbm>>
        %dma_start3A_108 = arith.constant 0 : i32
        %dma_start3A_109 = tpu.memref_slice %arg9[%dma_start3A_108] : memref<1024xi32, #tpu.memory_space<vmem>> -> memref<256xi32, #tpu.memory_space<vmem>>
        tpu.enqueue_dma source(%dma_start3A_109 : memref<256xi32, #tpu.memory_space<vmem>>) target(%dma_start3A_107 : memref<256xi32, #tpu.memory_space<hbm>>) target_semaphore(%run_scoped3A : memref<!tpu.dma_semaphore, #tpu.memory_space<semaphore_mem>>)
        %dma_wait3A = arith.constant 0 : i32
        %dma_wait3A_110 = tpu.memref_slice %arg9[%dma_wait3A] : memref<1024xi32, #tpu.memory_space<vmem>> -> memref<256xi32, #tpu.memory_space<vmem>>
        %dma_wait3A_111 = tpu.memref_slice %arg3[%mul3A_102] : memref<32768xi32, #tpu.memory_space<hbm>> -> memref<256xi32, #tpu.memory_space<hbm>>
        %dma_wait3A_112 = tpu.memref_slice %arg3[%mul3A_102] : memref<32768xi32, #tpu.memory_space<hbm>> -> memref<256xi32, #tpu.memory_space<hbm>>
        %dma_wait3A_113 = arith.constant 0 : i32
        %dma_wait3A_114 = tpu.memref_slice %arg9[%dma_wait3A_113] : memref<1024xi32, #tpu.memory_space<vmem>> -> memref<256xi32, #tpu.memory_space<vmem>>
        tpu.wait_dma2 semaphore(%run_scoped3A : memref<!tpu.dma_semaphore, #tpu.memory_space<semaphore_mem>>) src(%dma_wait3A_114 : memref<256xi32, #tpu.memory_space<vmem>>) dst(%dma_wait3A_112 : memref<256xi32, #tpu.memory_space<hbm>>)
        tpu.yield
      }) : () -> ()
      %mul3A_103 = arith.constant 768 : i32
      %mul3A_104 = arith.muli %add3A_9, %mul3A_103 : i32
      "tpu.region"() ({
        %run_scoped3A = tpu.sem_alloc : memref<!tpu.dma_semaphore, #tpu.memory_space<semaphore_mem>>
        %dma_start3A = arith.constant 256 : i32
        %dma_start3A_105 = tpu.memref_slice %arg9[%dma_start3A] : memref<1024xi32, #tpu.memory_space<vmem>> -> memref<768xi32, #tpu.memory_space<vmem>>
        %dma_start3A_106 = tpu.memref_slice %arg4[%mul3A_104] : memref<98304xi32, #tpu.memory_space<hbm>> -> memref<768xi32, #tpu.memory_space<hbm>>
        %dma_start3A_107 = tpu.memref_slice %arg4[%mul3A_104] : memref<98304xi32, #tpu.memory_space<hbm>> -> memref<768xi32, #tpu.memory_space<hbm>>
        %dma_start3A_108 = arith.constant 256 : i32
        %dma_start3A_109 = tpu.memref_slice %arg9[%dma_start3A_108] : memref<1024xi32, #tpu.memory_space<vmem>> -> memref<768xi32, #tpu.memory_space<vmem>>
        tpu.enqueue_dma source(%dma_start3A_109 : memref<768xi32, #tpu.memory_space<vmem>>) target(%dma_start3A_107 : memref<768xi32, #tpu.memory_space<hbm>>) target_semaphore(%run_scoped3A : memref<!tpu.dma_semaphore, #tpu.memory_space<semaphore_mem>>)
        %dma_wait3A = arith.constant 256 : i32
        %dma_wait3A_110 = tpu.memref_slice %arg9[%dma_wait3A] : memref<1024xi32, #tpu.memory_space<vmem>> -> memref<768xi32, #tpu.memory_space<vmem>>
        %dma_wait3A_111 = tpu.memref_slice %arg4[%mul3A_104] : memref<98304xi32, #tpu.memory_space<hbm>> -> memref<768xi32, #tpu.memory_space<hbm>>
        %dma_wait3A_112 = tpu.memref_slice %arg4[%mul3A_104] : memref<98304xi32, #tpu.memory_space<hbm>> -> memref<768xi32, #tpu.memory_space<hbm>>
        %dma_wait3A_113 = arith.constant 256 : i32
        %dma_wait3A_114 = tpu.memref_slice %arg9[%dma_wait3A_113] : memref<1024xi32, #tpu.memory_space<vmem>> -> memref<768xi32, #tpu.memory_space<vmem>>
        tpu.wait_dma2 semaphore(%run_scoped3A : memref<!tpu.dma_semaphore, #tpu.memory_space<semaphore_mem>>) src(%dma_wait3A_114 : memref<768xi32, #tpu.memory_space<vmem>>) dst(%dma_wait3A_112 : memref<768xi32, #tpu.memory_space<hbm>>)
        tpu.yield
      }) : () -> ()
    }
    %scan3A_5 = arith.constant 4 : i32
    return
  }
}

module attributes {stable_mosaic.version = 14 : i64} {
  func.func @_tc_transpose_body(%arg0: i32, %arg1: memref<41x192x128xf32, #tpu.memory_space<vmem>>, %arg2: memref<41x128x256xf32, #tpu.memory_space<vmem>>) attributes {dimension_semantics = [#tpu.dimension_semantics<arbitrary>], iteration_bounds = array<i64: 25>, scalar_prefetch = 0 : i64, scratch_operands = 0 : i64, tpu.core_type = #tpu.core_type<tc>, window_params = [{transform_indices = @transform_0, window_bounds = array<i64: 41, 192, 128>}, {transform_indices = @transform_1, window_bounds = array<i64: 41, 128, 256>}]} {
    %get3A = arith.constant 0 : index
    %get3A_0 = arith.constant 0 : index
    %get3A_1 = arith.constant 0 : index
    %get3A_2 = vector.load %arg1[%get3A, %get3A_0, %get3A_1] : memref<41x192x128xf32, #tpu.memory_space<vmem>>, vector<41x192x128xf32>
    %transpose3A = tpu.transpose %get3A_2, [0, 2, 1] : vector<41x192x128xf32> -> vector<41x128x192xf32>
    %broadcast_in_dim3A = arith.constant 0.000000e+00 : f32
    %broadcast_in_dim3A_3 = vector.broadcast %broadcast_in_dim3A : f32 to vector<41x128x64xf32>
    %concatenate3A = tpu.concatenate %transpose3A, %broadcast_in_dim3A_3 in 2 : vector<41x128x192xf32>, vector<41x128x64xf32> -> vector<41x128x256xf32>
    %swap3A = arith.constant 0 : index
    %swap3A_4 = arith.constant 0 : index
    %swap3A_5 = arith.constant 0 : index
    %swap3A_6 = vector.load %arg2[%swap3A, %swap3A_4, %swap3A_5] : memref<41x128x256xf32, #tpu.memory_space<vmem>>, vector<41x128x256xf32>
    tpu.vector_store %arg2[%swap3A, %swap3A_4, %swap3A_5], %concatenate3A {strides = array<i32>} : memref<41x128x256xf32, #tpu.memory_space<vmem>>, vector<41x128x256xf32>,
    return
  }
  func.func @transform_0(%arg0: i32) -> (i32, i32, i32) {
    %c0_i32 = arith.constant 0 : i32
    %c0_i32_0 = arith.constant 0 : i32
    %c0_i32_1 = arith.constant 0 : i32
    return %arg0, %c0_i32, %c0_i32_0 : i32, i32, i32
  }
  func.func @transform_1(%arg0: i32) -> (i32, i32, i32) {
    %c0_i32 = arith.constant 0 : i32
    %c0_i32_0 = arith.constant 0 : i32
    %c0_i32_1 = arith.constant 0 : i32
    return %arg0, %c0_i32, %c0_i32_0 : i32, i32, i32
  }
}

</mosaic_0001>

<sc_bundles>
// kernel: kernel.5.cloned.1.call-start
scs
__scs_entry_jumppad:
0x0: {  	(pc) =	sbr.rel $0x88, $3  }
0x1: {  	(tag) =	ssettag $0x0;
	lr =	simm.s32 $0x1  }
0x2: {  	[smem:$0x3F9F] =	sst lr;
	_ =	strace $0xD0000000  }
0x3: {  	_ = 	snop  }
0x4: {  	_ = 	snop  }
0x5: {  	_ = 	snop  }
0x6: {  	_ = 	snop  }
0x7: {  	_ = 	snop  }
__scs_overlays_trampoline_lowered:
0x8: {  	[smem:$0x3FAE] =	sst s0  }
0x9: {  	[smem:$0x3FAF] =	sst s1  }
0xa: {  	[smem:$0x3FB0] =	sst s2  }
0xb: {  	[smem:$0x3FB1] =	sst s3  }
0xc: {  	[smem:$0x3FB2] =	sst s4  }
0xd: {  	[smem:$0x3FB3] =	sst s5  }
0xe: {  	[smem:$0x3FB4] =	sst s6  }
0xf: {  	[smem:$0x3FB5] =	sst s7  }
0x10: {  	[smem:$0x3FB6] =	sst s8  }
0x11: {  	[smem:$0x3FB7] =	sst s9;
	s0 =	simm.s32 @!p0 $0x0  }
0x12: {  	s1 =	sld [smem:$0x3F9D];
	s0 =	simm.s32 @p0 $0x1  }
0x13: {  	[smem:$0x3FB8] =	sst s0;
	s0 =	simm.s32 @!p1 $0x0  }
0x14: {  	s2 =	sld [smem:$0x3F9C];
	s0 =	simm.s32 @p1 $0x1  }
0x15: {  	[smem:$0x3FB9] =	sst s0;
	s0 =	simm.s32 @!p2 $0x0  }
0x16: {  	s3 =	sld [smem:$0x3FDB];
	s0 =	simm.s32 @p2 $0x1  }
0x17: {  	s4 =	simm.s32 $0x1BF5;
	[smem:$0x3FBB] =	sst s0  }
0x18: {  	s0 =	sld [smem:$0x3F9E];
	_ =	swait.ge [sflag:s4], $0x0  }
0x19: {  	s7 =	sld [smem:$0x3F9F]  }
0x1a: {  	s8 =	sadd.s32 $0xFFFFE003, lr  }
0x1b: {  	s9 =	sadd.s32 $0xFFFFFEF7, lr;
	s5 =	simm.s32 $0xFFFFFFFF;
	p2 =	slt.u32 s8, $0xFFFFF086  }
0x1c: {  	p1 =	slt.u32 s9, $0xF7A;
	s5 =	simm.s32 @!p2 $0x0  }
0x1d: {  	s5 =	simm.s32 @p1 $0x1;
	p0 =	seq.s32 s7, s2  }
0x1e: {  	s7 =	smul.u32 @!p0 $0xF7A, s2;
	p2 =	seq.s32 @!p0 s5, $0x0  }
0x1f: {  	s9 =	smul.u32 $0xF7A, s1;
	s8 =	simm.s32 @!p0 $0x1BF5;
	p2 =	por !p2, p0  }
0x20: {  	[sflag:s8] =	ssyncset.s32 @!p0 $0xFFFFF086;
	s6 =	sadd.s32 @!p0 s3, s7;
	s7 =	simm.s32 @!p0 $0x108  }
0x21: {  	s3 =	sadd.s32 s3, s9;
	s6 =	sadd.s32 @!p0 $0x88, s6;
	s7 =	simm.s32 @p2 $0x1082  }
0x22: {  	[simem:s7], [sflag:s8] =	dma.local @!p0 [hbm:s6], $0xF7A  }
0x23: {  	s9 =	sor.u32 $0xD0000000, s2;
	s6 =	simm.s32 $0x108;
	_ =	swait.ge @!p0 [sflag:s8], $0x0  }
0x24: {  	s3 =	sadd.s32 $0x88, s3;
	s6 =	simm.s32 @!p1 $0x1082;
	[sflag:s4] =	ssyncset.s32 $0xFFFFF086  }
0x25: {  	[simem:s6], [sflag:s4] =	dma.local [hbm:s3], $0xF7A  }
0x26: {  	[smem:$0x3F9F] =	sst s1;
	(tag) =	ssettag s2;
	_ =	strace s9  }
0x27: {  	s1 =	sld [smem:$0x3FAF]  }
0x28: {  	s2 =	sld [smem:$0x3FB0]  }
0x29: {  	s4 =	sld [smem:$0x3FB2]  }
0x2a: {  	p0 =	seq.s32 s5, $0x0;
	s5 =	sld [smem:$0x3FB3]  }
0x2b: {  	s6 =	sld [smem:$0x3FB4]  }
0x2c: {  	s7 =	sld [smem:$0x3FB5]  }
0x2d: {  	s3 =	simm.s32 $0x108;
	s8 =	sld [smem:$0x3FB6]  }
0x2e: {  	s3 =	simm.s32 @!p0 $0x1082;
	s9 =	sld [smem:$0x3FB7]  }
0x2f: {  	lr =	sadd.s32 s0, s3;
	s0 =	sld [smem:$0x3FAE]  }
0x30: {  	s3 =	sld [smem:$0x3FB1]  }
0x31: {  	[smem:$0x3FBA] =	sst s10  }
0x32: {  	s10 =	sld [smem:$0x3FB8];
	_ =	sdelay $0x3  }
0x33: {  	p0 =	seq.s32 s10, $0x1;
	s10 =	sld [smem:$0x3FBA];
	_ =	sdelay $0x3  }
0x34: {  	[smem:$0x3FBA] =	sst s10  }
0x35: {  	s10 =	sld [smem:$0x3FB9];
	_ =	sdelay $0x3  }
0x36: {  	p1 =	seq.s32 s10, $0x1;
	s10 =	sld [smem:$0x3FBA];
	_ =	sdelay $0x3  }
0x37: {  	[smem:$0x3FBA] =	sst s10  }
0x38: {  	s10 =	sld [smem:$0x3FBB]  }
0x39: {  	_ = 	snop;
	(pc) =	sbr.ind lr, $3  }
0x3a: {  	_ = 	snop  }
0x3b: {  	_ = 	snop  }
0x3c: {  	p2 =	seq.s32 s10, $0x1;
	s10 =	sld [smem:$0x3FBA]  }
0x3d: {  	_ =	shalt  }
0x3e: {  	_ =	shalt  }
0x3f: {  	_ =	shalt  }
0x40: {  	_ =	shalt  }
0x41: {  	_ =	shalt  }
0x42: {  	_ =	shalt  }
0x43: {  	_ =	shalt  }
0x44: {  	_ =	shalt  }
0x45: {  	_ =	shalt  }
0x46: {  	_ =	shalt  }
0x47: {  	_ =	shalt  }
0x48: {  	_ =	shalt  }
0x49: {  	_ =	shalt  }
0x4a: {  	_ =	shalt  }
0x4b: {  	_ =	shalt  }
0x4c: {  	_ =	shalt  }
0x4d: {  	_ =	shalt  }
0x4e: {  	_ =	shalt  }
0x4f: {  	_ =	shalt  }
0x50: {  	_ =	shalt  }
0x51: {  	_ =	shalt  }
0x52: {  	_ =	shalt  }
0x53: {  	_ =	shalt  }
0x54: {  	_ =	shalt  }
0x55: {  	_ =	shalt  }
0x56: {  	_ =	shalt  }
0x57: {  	_ =	shalt  }
0x58: {  	_ =	shalt  }
0x59: {  	_ =	shalt  }
0x5a: {  	_ =	shalt  }
0x5b: {  	_ =	shalt  }
0x5c: {  	_ =	shalt  }
0x5d: {  	_ =	shalt  }
0x5e: {  	_ =	shalt  }
0x5f: {  	_ =	shalt  }
0x60: {  	_ =	shalt  }
0x61: {  	_ =	shalt  }
0x62: {  	_ =	shalt  }
0x63: {  	_ =	shalt  }
0x64: {  	_ =	shalt  }
0x65: {  	_ =	shalt  }
0x66: {  	_ =	shalt  }
0x67: {  	_ =	shalt  }
0x68: {  	_ =	shalt  }
0x69: {  	_ =	shalt  }
0x6a: {  	_ =	shalt  }
0x6b: {  	_ =	shalt  }
0x6c: {  	_ =	shalt  }
0x6d: {  	_ =	shalt  }
0x6e: {  	_ =	shalt  }
0x6f: {  	_ =	shalt  }
0x70: {  	_ =	shalt  }
0x71: {  	_ =	shalt  }
0x72: {  	_ =	shalt  }
0x73: {  	_ =	shalt  }
0x74: {  	_ =	shalt  }
0x75: {  	_ =	shalt  }
0x76: {  	_ =	shalt  }
0x77: {  	_ =	shalt  }
0x78: {  	_ =	shalt  }
0x79: {  	_ =	shalt  }
0x7a: {  	_ =	shalt  }
0x7b: {  	_ =	shalt  }
0x7c: {  	_ =	shalt  }
0x7d: {  	_ =	shalt  }
0x7e: {  	_ =	shalt  }
0x7f: {  	_ =	shalt  }
0x80: {  	_ =	shalt  }
0x81: {  	_ =	shalt  }
0x82: {  	_ =	shalt  }
0x83: {  	_ =	shalt  }
0x84: {  	_ =	shalt  }
0x85: {  	_ =	shalt  }
0x86: {  	_ =	shalt  }
0x87: {  	_ =	shalt  }
.Lfunc_end0:
.L_simem_size_0:
called_computation_lowered:
.L_overlay_start_0:
0x88: {  	s2 =	sld [smem:$0x3FD9]  }
0x89: {  	s3 =	sld [smem:$0x3FFE];
	_ =	sdelay $0x1  }
0x8a: {  	s1 =	srdreg.scid  }
0x8b: {  	s0 =	sand.u32 $0x1, s1  }
0x8c: {  	s15 =	sshll.u32 s0, $0xA;
	s2 =	sadd.s32 s3, s2  }
0x8d: {  	s2 =	sadd.s32 s2, s15  }
0x8e: {  	[smem:$0x3FC6] =	sst s2  }
0x8f: {  	_ = 	snop  }
0x90: {  	s2 =	sld [smem:$0x3FD0];
	_ =	sdelay $0x2  }
0x91: {  	s16 =	simm.s32 $0xA;
	s4 =	simm.s32 $0x10  }
0x92: {  	[smem:s4], [sflag:s16] =	dma.local [hbm:s2], $0x1  }
0x93: {  	_ =	swait.eq [sflag:s16], $0x1  }
0x94: {  	s17 =	sld [smem:$0x12]  }
0x95: {  	s18 =	sld [smem:$0x13];
	[sflag:s16] =	ssyncset.done $0x0  }
0x96: {  	s5 =	sld [smem:$0x14];
	[sflag:s16] =	ssyncadd.s32 $0xFFFFFFFF  }
0x97: {  	s19 =	sld [smem:$0x15];
	(tm) =	ssettm $0x1  }
0x98: {  	s6 =	sld [smem:$0x3FFB];
	_ =	sdelay $0x3  }
0x99: {  	_ =	strace s6  }
0x9a: {  	s6 =	sld [smem:$0x3FFC];
	_ =	sdelay $0x3  }
0x9b: {  	_ =	strace s6  }
0x9c: {  	s6 =	sld [smem:$0x3FFD];
	_ =	sdelay $0x3  }
0x9d: {  	_ =	strace s6  }
0x9e: {  	_ =	strace $0x8FFFFFFF  }
0x9f: {  	s20 =	sld [smem:$0x3FDB];
	_ =	sdelay $0x1  }
0xa0: {  	s7 =	simm.s32 $_scs_section_size  }
0xa1: {  	s8 =	simm.s32 $_size__tile_overlayer_lowered;
	s9 =	simm.s32 $_tile_overlayer_lowered  }
0xa2: {  	s23 =	simm.s32 $0x1BFF;
	s22 =	sshll.u32 s9, $0x1;
	s6 =	sadd.s32 s7, s20  }
0xa3: {  	s10 =	simm.s32 $0x0;
	s21 =	sshll.u32 s8, $0x1;
	s8 =	sadd.s32 s22, s6  }
0xa4: {  	[timem:s10], [sflag:s23] =	dma.local [hbm:s8], s21  }
0xa5: {  	_ =	swait.ge [sflag:s23], s21  }
0xa6: {  	s7 =	ssub.s32 $0x0, s21;
	[sflag:s23] =	ssyncset.done $0x0  }
0xa7: {  	[sflag:s23] =	ssyncadd.s32 s7;
	_ =	sdelay $0x1  }
0xa8: {  	s24 =	simm.s32 $0x1B8B  }
0xa9: {  	_ =	swait.ge [sflag:s24], $0x1  }
0xaa: {  	[sflag:s24] =	ssyncset.done $0x0  }
0xab: {  	s25 =	simm.s32 $0x1B8E;
	[sflag:s24] =	ssyncadd.s32 $0xFFFFFFFF  }
0xac: {  	s26 =	simm.s32 $execute0_lowered;
	[smem:$0x3FD2] =	sst s25  }
0xad: {  	s7 =	sshll.u32 s26, $0x1;
	_ =	strace $0x80000046;
	[dreg:$0x1] =	wrdreg $0xFFFFFFFF  }
0xae: {  	s28 =	simm.s32 $_size_execute0_lowered;
	s6 =	sadd.s32 s6, s7;
	[dreg:$0x0] =	wrdreg $0x0  }
0xaf: {  	s7 =	sshll.u32 s28, $0x1;
	[dreg:$0x2] =	wrdreg s6  }
0xb0: {  	[dreg:$0x3] =	wrdreg s7  }
0xb1: {  	[dreg:$0x4] =	wrdreg $0xC0  }
0xb2: {  	_ =	task [dreg:s10], $0x5FFFF  }
0xb3: {  	[dreg:$0x1] =	wrdreg $0xFFFFFFFF  }
0xb4: {  	[dreg:$0x0] =	wrdreg $0x60  }
0xb5: {  	[dreg:$0x2] =	wrdreg s18  }
0xb6: {  	[dreg:$0x3] =	wrdreg s5  }
0xb7: {  	[dreg:$0x4] =	wrdreg s17  }
0xb8: {  	[dreg:$0x5] =	wrdreg s19  }
0xb9: {  	[dreg:$0x6] =	wrdreg $0x9  }
0xba: {  	_ =	task.clear_ibuf [dreg:s10], $0x7FFFF;
	_ =	strace $0x90000046  }
0xbb: {  	s29 =	simm.s32 $0x9;
	_ =	strace $0x80000048  }
0xbc: {  	_ =	swait.ge [sflag:s29], $0x1  }
0xbd: {  	[sflag:s29] =	ssyncadd.s32 $0xFFFFFFFF  }
0xbe: {  	_ =	strace $0x90000048  }
0xbf: {  	_ =	sfence  }
0xc0: {  	s30 =	sld [smem:$0x0];
	_ =	sdelay $0x2  }
0xc1: {  	s31 =	sshll.u32 s1, $0xD;
	s1 =	sshrl.u32 s1, $0x2  }
0xc2: {  	s3 =	sand.u32 $0x4000, s31;
	s1 =	sadd.s32 s1, s30  }
0xc3: {  	s0 =	sor.u32 s3, s0;
	s1 =	sshll.u32 s1, $0x11  }
0xc4: {  	s0 =	sor.u32 s1, s0  }
0xc5: {  	s0 =	sadd.s32 $0x8F2B, s0  }
0xc6: {  	[sflag:s0] =	ssyncadd.remote.s32 $0x1  }
0xc7: {  	_ =	sfence.sel $0xFFFF  }
0xc8: {  	[dreg:$0x0] =	wrdreg $0xFFFFFFFF;
	(pc) =	sbr.abs _section_cstart, $3  }
0xc9: {  	[dreg:$0x1] =	wrdreg $0xFFFFFFFF  }
0xca: {  	_ =	task.clear_ibuf [dreg:s10], $0x2FFFF;
	_ =	strace $0x9FFFFFFF  }
0xcb: {  	(tm) =	ssettm $0x7FFFFFFF  }
tec
execute0_lowered:
.L_overlay_start_1:
0x0: {  	(tag) =	ssettag $0x1  }
0x1: {  	s1 =	rddreg [dreg:$0x0]  }
0x2: {  	s2 =	rddreg [dreg:$0x1]  }
0x3: {  	s3 =	rddreg [dreg:$0x2]  }
0x4: {  	s0 =	srdreg.scid;
	s4 =	rddreg [dreg:$0x3];
	s6 =	simm.s32 $0x0  }
0x5: {  	s5 =	stileid.u32;
	s10 =	simm.s32 $0x1000;
	s11 =	simm.s32 $0x1400  }
0x6: {  	s12 =	simm.s32 $0x800;
	s13 =	simm.s32 $0xC00;
	s14 =	simm.s32 $0x400  }
0x7: {  	s15 =	simm.s32 $0x1800;
	s16 =	simm.s32 $0xD00;
	s7 =	sand.u32 $0x1, s0  }
0x8: {  	s17 =	simm.s32 $0x0;
	s0 =	rddreg [dreg:$0x4];
	s8 =	ssub.s32 $0x2, s7  }
0x9: {  	[smem:$0x7FF] =	sst s6;
	s31 =	sshll.u32 s5, $0x3;
	s9 =	sshrl.u32 s8, $0x1  }
0xa: {  	s7 =	sshll.u32 s7, $0x2;
	_ =	strace $0x80000047;
	s8 =	ssub.s32 s8, s9  }
0xb: {  	v0 =	vlaneseq.u32;
	v1 =	vimm.s32 $0x0;
	s7 =	sor.u32 s7, s31;
	s9 =	simm.s32 $0x1;
	s8 =	smax.u32 s8, $0x1  }
.LBB2_1:
0xc: {  	s18 =	simm.s32 $0x0  }
.LBB2_2:
0xd: {  	s19 =	sadd.s32 s7, s18  }
0xe: {  	s20 =	sshll.u32 s19, $0x7  }
0xf: {  	s22 =	simm.s32 $0x0;
	s21 =	sadd.s32 s1, s20  }
0x10: {  	[tilespmem:s22], [sflag:$0x1] =	stream.linear.gather [hbm4b:s21+s22], $0x400, $0x38;
	[tilespmem:$0x1C00] =	vst v63  }
0x11: {  	_ =	swait.ge [sflag:s9], $0x400  }
0x12: {  	[sflag:s9] =	ssyncset.done $0x0  }
0x13: {  	v2 =	vor.u32 s22, v0;
	s21 =	simm.s32 $0x400;
	[sflag:s9] =	ssyncadd.s32 $0xFFFFFC00  }
0x14: {  	s22 =	simm.s32 $0x10;
	[tilespmem:s21+$0x0] =	vst v2  }
.LBB2_3:
0x15: {  	p0 =	sne.s32 s22, $0x3F0  }
.Ltmp0:
0x16: {  	_ = 	snop;
	(pc) =	sbr.rel @p0 .LBB2_3-.Ltmp0, $3  }
0x17: {  	_ =	sdelay $0x1  }
0x18: {  	v2 =	vor.u32 s22, v0;
	s22 =	sadd.s32 $0x10, s22;
	s21 =	sadd.s32 $0x10, s21  }
0x19: {  	[tilespmem:s21+$0x0] =	vst v2  }
0x1a: {  	s21 =	simm.s32 $0x40;
	s22 =	simm.s32 $0x0  }
.LBB2_5:
0x1b: {  	p0 =	sne.s32 s21, $0xFC0;
	[tilespmem:s22+$0x1000] =	vst v1;
	s22 =	smov.u32 s21;
	s21 =	sadd.s32 $0x40, s21  }
.Ltmp1:
0x1c: {  	(pc) =	sbr.rel @p0 .LBB2_5-.Ltmp1, $2  }
0x1d: {  	_ =	sdelay $0x2  }
0x1e: {  	s22 =	sshra.s32 s22, $0x2  }
0x1f: {  	[tilespmem:s22+$0x1000] =	vst v1;
	s21 =	simm.s32 $0x0;
	s23 =	simm.s32 $0x0;
	s22 =	simm.s32 $0x40  }
.LBB2_7:
0x20: {  	p0 =	sne.s32 s22, $0xFC0;
	v2 =	vld [tilespmem:s23+$0x0];
	_ =	sdelay $0x4  }
0x21: {  	v2 =	vand.u32 $0x3FF, v2  }
0x22: {  	(xrf1) =	vunique.msk.u32 $0xffff, v2;
	_ =	sdelay $0xd  }
0x23: {  	_, v3, vm0 =	vpop (xrf1);
	_ =	sdelay $0x1  }
.Ltmp2:
0x24: {  	(pc) =	sbr.rel @p0 .LBB2_7-.Ltmp2, $2  }
0x25: {  	_ =	sdelay $0x2  }
0x26: {  	s23 =	sshra.s32 s22, $0x2;
	s22 =	sadd.s32 $0x40, s22;
	[tilespmem:v2+s10+$0x0] =	vst.idx.add.s32.msk vm0, v3  }
0x27: {  	v2 =	vld [tilespmem:s23+$0x0];
	_ =	sdelay $0x4  }
0x28: {  	v2 =	vand.u32 $0x3FF, v2  }
0x29: {  	(xrf1) =	vunique.msk.u32 $0xffff, v2;
	_ =	sdelay $0xd  }
0x2a: {  	_, v3, vm0 =	vpop (xrf1);
	_ =	sdelay $0x5  }
0x2b: {  	s24 =	simm.s32 $0x0;
	[tilespmem:v2+s10+$0x0] =	vst.idx.add.s32.msk vm0, v3  }
0x2c: {  	s22 =	simm.s32 $0x10;
	v3 =	vld [tilespmem:s24+$0x1000]  }
0x2d: {  	v2 =	vld [tilespmem:s22+$0x1000];
	_ =	sdelay $0x3  }
0x2e: {  	(xrf0) =	vadd.scan.msk.s32 $0xffff, v3  }
0x2f: {  	(xrf0) =	vadd.scan.msk.s32 $0xffff, v2;
	_ =	sdelay $0x4  }
0x30: {  	s23 =	simm.s32 $0x20;
	v7, _, _ =	vpop (xrf0)  }
0x31: {  	v5 =	vld [tilespmem:s23+$0x1000];
	(v2sf) =	vpush v7, $0xF;
	v6, _, _ =	vpop (xrf0)  }
0x32: {  	(v2sf) =	vpush v6, $0xF;
	_ =	sdelay $0x3  }
0x33: {  	s25 =	simm.s32 $0x30;
	(xrf0) =	vadd.scan.msk.s32 $0xffff, v5  }
0x34: {  	v4 =	vld [tilespmem:s25+$0x1000];
	_ =	sdelay $0x3  }
0x35: {  	s26 =	simm.s32 $0x100  }
.LBB2_9:
0x36: {  	s28 =	sshra.s32 s26, $0x2;
	p0 =	sne.s32 s26, $0xFC0;
	s26 =	sadd.s32 $0x40, s26;
	(xrf0) =	vadd.scan.msk.s32 $0xffff, v4;
	v8, _, _ =	vpop (xrf0);
	v9 =	vsub.s32 s21, v3;
	v3 =	vmov v2;
	v2 =	vmov v5  }
.Ltmp3:
0x37: {  	v5 =	vmovc v4;
	(v2sf) =	vpush v8, $0xF;
	v9 =	vadd.s32 v7, v9;
	v7 =	vmovc v6;
	v6 =	vmov v8;
	v4 =	vld [tilespmem:s28+$0x1000];
	(pc) =	sbr.rel @p0 .LBB2_9-.Ltmp3, $4  }
0x38: {  	[tilespmem:s24+$0x1400] =	vst v9;
	s24 =	smov.u32 s22;
	s22 =	smov.u32 s23;
	s23 =	smov.u32 s25  }
0x39: {  	s25 =	smov.u32 s28  }
0x3a: {  	s28 =	spop (v2sf)  }
0x3b: {  	s21 =	sadd.s32 s21, s28  }
0x3c: {  	(xrf0) =	vadd.scan.msk.s32 $0xffff, v4;
	v8, _, _ =	vpop (xrf0)  }
0x3d: {  	(v2sf) =	vpush v8, $0xF;
	_ =	sdelay $0x4  }
0x3e: {  	v9, _, _ =	vpop (xrf0)  }
0x3f: {  	(v2sf) =	vpush v9, $0xF;
	_ =	sdelay $0x6  }
0x40: {  	s26 =	spop (v2sf)  }
0x41: {  	v3 =	vsub.s32 s21, v3;
	s26 =	sadd.s32 s21, s26;
	s28 =	spop (v2sf)  }
0x42: {  	v3 =	vadd.s32 v7, v3;
	v2 =	vsub.s32 s26, v2;
	s21 =	sadd.s32 s26, s28;
	s29 =	spop (v2sf)  }
0x43: {  	[tilespmem:s24+$0x1400] =	vst v3;
	v2 =	vadd.s32 v6, v2;
	v3 =	vsub.s32 s21, v5;
	s21 =	sadd.s32 s21, s29  }
0x44: {  	[tilespmem:s22+$0x1400] =	vst v2;
	v2 =	vadd.s32 v8, v3;
	v3 =	vsub.s32 s21, v4  }
0x45: {  	[tilespmem:s23+$0x1400] =	vst v2;
	v2 =	vadd.s32 v9, v3  }
0x46: {  	s30 =	simm.s32 $0x0;
	[tilespmem:s25+$0x1400] =	vst v2  }
0x47: {  	v2 =	vld [tilespmem:s30+$0x0]  }
0x48: {  	s21 =	simm.s32 $0x40;
	v3 =	vld [tilespmem:s30+$0x400];
	s31 =	spop (v2sf)  }
.LBB2_11:
0x49: {  	p0 =	sne.s32 s21, $0xFC0;
	_ =	sdelay $0x2  }
0x4a: {  	v4 =	vand.u32 $0x3FF, v2  }
0x4b: {  	(xrf1) =	vunique.msk.u32 $0xffff, v4;
	_ =	sdelay $0x8  }
0x4c: {  	v5 =	vld.idx.msk [tilespmem:v4+s11+$0x0], $0xffff;
	_ =	sdelay $0x4  }
0x4d: {  	_, v6, vm0 =	vpop (xrf1)  }
0x4e: {  	v5 =	vadd.s32 v6, v5  }
0x4f: {  	v5 =	vadd.s32 $0xFFFFFFFF, v5;
	_ =	sdelay $0x4  }
.Ltmp4:
0x50: {  	[tilespmem:v5+s12+$0x0] =	vst.idx.msk $0xffff, v2;
	(pc) =	sbr.rel @p0 .LBB2_11-.Ltmp4, $4  }
0x51: {  	[tilespmem:v5+s13+$0x0] =	vst.idx.msk $0xffff, v3  }
0x52: {  	s22 =	sshra.s32 s21, $0x2;
	[tilespmem:v4+s11+$0x0] =	vst.idx.add.s32.msk vm0, v6  }
0x53: {  	v2 =	vld [tilespmem:s22+$0x0]  }
0x54: {  	s21 =	sadd.s32 $0x40, s21;
	v3 =	vld [tilespmem:s22+$0x400]  }
0x55: {  	_ =	sdelay $0x2  }
0x56: {  	v4 =	vand.u32 $0x3FF, v2  }
0x57: {  	(xrf1) =	vunique.msk.u32 $0xffff, v4;
	_ =	sdelay $0x9  }
0x58: {  	v5 =	vld.idx.msk [tilespmem:v4+s11+$0x0], $0xffff;
	_ =	sdelay $0x3  }
0x59: {  	_, v6, vm0 =	vpop (xrf1)  }
0x5a: {  	v5 =	vadd.s32 v6, v5  }
0x5b: {  	v5 =	vadd.s32 $0xFFFFFFFF, v5;
	_ =	sdelay $0x4  }
0x5c: {  	[tilespmem:v5+s12+$0x0] =	vst.idx.msk $0xffff, v2  }
0x5d: {  	[tilespmem:v5+s13+$0x0] =	vst.idx.msk $0xffff, v3  }
0x5e: {  	s21 =	simm.s32 $0x40;
	s22 =	simm.s32 $0x0;
	[tilespmem:v4+s11+$0x0] =	vst.idx.add.s32.msk vm0, v6  }
.LBB2_13:
0x5f: {  	p0 =	sne.s32 s21, $0xFC0;
	[tilespmem:s22+$0x1000] =	vst v1;
	s22 =	smov.u32 s21;
	s21 =	sadd.s32 $0x40, s21  }
.Ltmp5:
0x60: {  	(pc) =	sbr.rel @p0 .LBB2_13-.Ltmp5, $2  }
0x61: {  	_ =	sdelay $0x2  }
0x62: {  	s22 =	sshra.s32 s22, $0x2  }
0x63: {  	[tilespmem:s22+$0x1000] =	vst v1;
	s21 =	simm.s32 $0x0;
	s23 =	simm.s32 $0x0;
	s22 =	simm.s32 $0x40  }
.LBB2_15:
0x64: {  	p0 =	sne.s32 s22, $0xFC0;
	v2 =	vld [tilespmem:s23+$0x800];
	_ =	sdelay $0x4  }
0x65: {  	v2 =	vshrl.u32 v2, $0xA  }
0x66: {  	v2 =	vand.u32 $0x3FF, v2  }
0x67: {  	(xrf1) =	vunique.msk.u32 $0xffff, v2;
	_ =	sdelay $0xd  }
0x68: {  	_, v3, vm0 =	vpop (xrf1);
	_ =	sdelay $0x1  }
.Ltmp6:
0x69: {  	(pc) =	sbr.rel @p0 .LBB2_15-.Ltmp6, $2  }
0x6a: {  	_ =	sdelay $0x2  }
0x6b: {  	s23 =	sshra.s32 s22, $0x2;
	s22 =	sadd.s32 $0x40, s22;
	[tilespmem:v2+s10+$0x0] =	vst.idx.add.s32.msk vm0, v3  }
0x6c: {  	v2 =	vld [tilespmem:s23+$0x800];
	_ =	sdelay $0x4  }
0x6d: {  	v2 =	vshrl.u32 v2, $0xA  }
0x6e: {  	v2 =	vand.u32 $0x3FF, v2  }
0x6f: {  	(xrf1) =	vunique.msk.u32 $0xffff, v2;
	_ =	sdelay $0xd  }
0x70: {  	_, v3, vm0 =	vpop (xrf1);
	_ =	sdelay $0x5  }
0x71: {  	s24 =	simm.s32 $0x0;
	[tilespmem:v2+s10+$0x0] =	vst.idx.add.s32.msk vm0, v3  }
0x72: {  	s22 =	simm.s32 $0x10;
	v3 =	vld [tilespmem:s24+$0x1000]  }
0x73: {  	v2 =	vld [tilespmem:s22+$0x1000];
	_ =	sdelay $0x3  }
0x74: {  	(xrf0) =	vadd.scan.msk.s32 $0xffff, v3  }
0x75: {  	(xrf0) =	vadd.scan.msk.s32 $0xffff, v2;
	_ =	sdelay $0x4  }
0x76: {  	s23 =	simm.s32 $0x20;
	v7, _, _ =	vpop (xrf0)  }
0x77: {  	v5 =	vld [tilespmem:s23+$0x1000];
	(v2sf) =	vpush v7, $0xF;
	v6, _, _ =	vpop (xrf0)  }
0x78: {  	(v2sf) =	vpush v6, $0xF;
	_ =	sdelay $0x3  }
0x79: {  	s25 =	simm.s32 $0x30;
	(xrf0) =	vadd.scan.msk.s32 $0xffff, v5  }
0x7a: {  	v4 =	vld [tilespmem:s25+$0x1000];
	_ =	sdelay $0x3  }
0x7b: {  	s26 =	simm.s32 $0x100  }
.LBB2_17:
0x7c: {  	s28 =	sshra.s32 s26, $0x2;
	p0 =	sne.s32 s26, $0xFC0;
	s26 =	sadd.s32 $0x40, s26;
	(xrf0) =	vadd.scan.msk.s32 $0xffff, v4;
	v8, _, _ =	vpop (xrf0);
	v9 =	vsub.s32 s21, v3;
	v3 =	vmov v2;
	v2 =	vmov v5  }
.Ltmp7:
0x7d: {  	v5 =	vmovc v4;
	(v2sf) =	vpush v8, $0xF;
	v9 =	vadd.s32 v7, v9;
	v7 =	vmovc v6;
	v6 =	vmov v8;
	v4 =	vld [tilespmem:s28+$0x1000];
	(pc) =	sbr.rel @p0 .LBB2_17-.Ltmp7, $4  }
0x7e: {  	[tilespmem:s24+$0x1400] =	vst v9;
	s24 =	smov.u32 s22;
	s22 =	smov.u32 s23;
	s23 =	smov.u32 s25  }
0x7f: {  	s25 =	smov.u32 s28  }
0x80: {  	s28 =	spop (v2sf)  }
0x81: {  	s21 =	sadd.s32 s21, s28  }
0x82: {  	(xrf0) =	vadd.scan.msk.s32 $0xffff, v4;
	v8, _, _ =	vpop (xrf0)  }
0x83: {  	(v2sf) =	vpush v8, $0xF;
	_ =	sdelay $0x4  }
0x84: {  	v9, _, _ =	vpop (xrf0)  }
0x85: {  	(v2sf) =	vpush v9, $0xF;
	_ =	sdelay $0x6  }
0x86: {  	s26 =	spop (v2sf)  }
0x87: {  	v3 =	vsub.s32 s21, v3;
	s26 =	sadd.s32 s21, s26;
	s28 =	spop (v2sf)  }
0x88: {  	v3 =	vadd.s32 v7, v3;
	v2 =	vsub.s32 s26, v2;
	s21 =	sadd.s32 s26, s28;
	s29 =	spop (v2sf)  }
0x89: {  	[tilespmem:s24+$0x1400] =	vst v3;
	v2 =	vadd.s32 v6, v2;
	v3 =	vsub.s32 s21, v5;
	s21 =	sadd.s32 s21, s29  }
0x8a: {  	[tilespmem:s22+$0x1400] =	vst v2;
	v2 =	vadd.s32 v8, v3;
	v3 =	vsub.s32 s21, v4  }
0x8b: {  	[tilespmem:s23+$0x1400] =	vst v2;
	v2 =	vadd.s32 v9, v3  }
0x8c: {  	s30 =	simm.s32 $0x0;
	[tilespmem:s25+$0x1400] =	vst v2  }
0x8d: {  	v2 =	vld [tilespmem:s30+$0x800]  }
0x8e: {  	s22 =	simm.s32 $0x40;
	s21 =	simm.s32 $0x0;
	v3 =	vld [tilespmem:s30+$0xC00];
	s31 =	spop (v2sf)  }
.LBB2_19:
0x8f: {  	p0 =	sne.s32 s22, $0xFC0;
	_ =	sdelay $0x2  }
0x90: {  	v4 =	vshrl.u32 v2, $0xA  }
0x91: {  	v4 =	vand.u32 $0x3FF, v4  }
0x92: {  	(xrf1) =	vunique.msk.u32 $0xffff, v4;
	_ =	sdelay $0x8  }
0x93: {  	v5 =	vld.idx.msk [tilespmem:v4+s11+$0x0], $0xffff;
	_ =	sdelay $0x4  }
0x94: {  	_, v6, vm0 =	vpop (xrf1)  }
0x95: {  	v5 =	vadd.s32 v6, v5  }
0x96: {  	v5 =	vadd.s32 $0xFFFFFFFF, v5;
	_ =	sdelay $0x4  }
.Ltmp8:
0x97: {  	[tilespmem:v5+s21+$0x0] =	vst.idx.msk $0xffff, v2;
	(pc) =	sbr.rel @p0 .LBB2_19-.Ltmp8, $4  }
0x98: {  	[tilespmem:v5+s14+$0x0] =	vst.idx.msk $0xffff, v3  }
0x99: {  	s23 =	sshra.s32 s22, $0x2;
	[tilespmem:v4+s11+$0x0] =	vst.idx.add.s32.msk vm0, v6  }
0x9a: {  	v2 =	vld [tilespmem:s23+$0x800]  }
0x9b: {  	s22 =	sadd.s32 $0x40, s22;
	v3 =	vld [tilespmem:s23+$0xC00]  }
0x9c: {  	_ =	sdelay $0x2  }
0x9d: {  	v4 =	vshrl.u32 v2, $0xA  }
0x9e: {  	v4 =	vand.u32 $0x3FF, v4  }
0x9f: {  	(xrf1) =	vunique.msk.u32 $0xffff, v4;
	_ =	sdelay $0x9  }
0xa0: {  	v5 =	vld.idx.msk [tilespmem:v4+s11+$0x0], $0xffff;
	_ =	sdelay $0x3  }
0xa1: {  	_, v6, vm0 =	vpop (xrf1)  }
0xa2: {  	v5 =	vadd.s32 v6, v5  }
0xa3: {  	v5 =	vadd.s32 $0xFFFFFFFF, v5;
	_ =	sdelay $0x4  }
0xa4: {  	[tilespmem:v5+s21+$0x0] =	vst.idx.msk $0xffff, v2  }
0xa5: {  	[tilespmem:v5+s14+$0x0] =	vst.idx.msk $0xffff, v3  }
0xa6: {  	s22 =	simm.s32 $0x0;
	s21 =	simm.s32 $0x40;
	[tilespmem:v4+s11+$0x0] =	vst.idx.add.s32.msk vm0, v6  }
.LBB2_21:
0xa7: {  	p0 =	sne.s32 s21, $0xFC0;
	[tilespmem:s22+$0x1000] =	vst v1;
	s22 =	smov.u32 s21;
	s21 =	sadd.s32 $0x40, s21  }
.Ltmp9:
0xa8: {  	(pc) =	sbr.rel @p0 .LBB2_21-.Ltmp9, $2  }
0xa9: {  	_ =	sdelay $0x2  }
0xaa: {  	s22 =	sshra.s32 s22, $0x2  }
0xab: {  	[tilespmem:s22+$0x1000] =	vst v1;
	s21 =	simm.s32 $0x0;
	s23 =	simm.s32 $0x0;
	s22 =	simm.s32 $0x40  }
.LBB2_23:
0xac: {  	p0 =	sne.s32 s22, $0xFC0;
	v2 =	vld [tilespmem:s23+$0x0];
	_ =	sdelay $0x4  }
0xad: {  	v2 =	vshrl.u32 v2, $0x14  }
0xae: {  	v2 =	vand.u32 $0x3FF, v2  }
0xaf: {  	(xrf1) =	vunique.msk.u32 $0xffff, v2;
	_ =	sdelay $0xd  }
0xb0: {  	_, v3, vm0 =	vpop (xrf1);
	_ =	sdelay $0x1  }
.Ltmp10:
0xb1: {  	(pc) =	sbr.rel @p0 .LBB2_23-.Ltmp10, $2  }
0xb2: {  	_ =	sdelay $0x2  }
0xb3: {  	s23 =	sshra.s32 s22, $0x2;
	s22 =	sadd.s32 $0x40, s22;
	[tilespmem:v2+s10+$0x0] =	vst.idx.add.s32.msk vm0, v3  }
0xb4: {  	v2 =	vld [tilespmem:s23+$0x0];
	_ =	sdelay $0x4  }
0xb5: {  	v2 =	vshrl.u32 v2, $0x14  }
0xb6: {  	v2 =	vand.u32 $0x3FF, v2  }
0xb7: {  	(xrf1) =	vunique.msk.u32 $0xffff, v2;
	_ =	sdelay $0xd  }
0xb8: {  	_, v3, vm0 =	vpop (xrf1);
	_ =	sdelay $0x5  }
0xb9: {  	s24 =	simm.s32 $0x0;
	[tilespmem:v2+s10+$0x0] =	vst.idx.add.s32.msk vm0, v3  }
0xba: {  	s22 =	simm.s32 $0x10;
	v3 =	vld [tilespmem:s24+$0x1000]  }
0xbb: {  	v2 =	vld [tilespmem:s22+$0x1000];
	_ =	sdelay $0x3  }
0xbc: {  	(xrf0) =	vadd.scan.msk.s32 $0xffff, v3  }
0xbd: {  	(xrf0) =	vadd.scan.msk.s32 $0xffff, v2;
	_ =	sdelay $0x4  }
0xbe: {  	s23 =	simm.s32 $0x20;
	v7, _, _ =	vpop (xrf0)  }
0xbf: {  	v5 =	vld [tilespmem:s23+$0x1000];
	(v2sf) =	vpush v7, $0xF;
	v6, _, _ =	vpop (xrf0)  }
0xc0: {  	(v2sf) =	vpush v6, $0xF;
	_ =	sdelay $0x3  }
0xc1: {  	s25 =	simm.s32 $0x30;
	(xrf0) =	vadd.scan.msk.s32 $0xffff, v5  }
0xc2: {  	v4 =	vld [tilespmem:s25+$0x1000];
	_ =	sdelay $0x3  }
0xc3: {  	s26 =	simm.s32 $0x100  }
.LBB2_25:
0xc4: {  	s28 =	sshra.s32 s26, $0x2;
	p0 =	sne.s32 s26, $0xFC0;
	s26 =	sadd.s32 $0x40, s26;
	(xrf0) =	vadd.scan.msk.s32 $0xffff, v4;
	v8, _, _ =	vpop (xrf0);
	v9 =	vsub.s32 s21, v3;
	v3 =	vmov v2;
	v2 =	vmov v5  }
.Ltmp11:
0xc5: {  	v5 =	vmovc v4;
	(v2sf) =	vpush v8, $0xF;
	v9 =	vadd.s32 v7, v9;
	v7 =	vmovc v6;
	v6 =	vmov v8;
	v4 =	vld [tilespmem:s28+$0x1000];
	(pc) =	sbr.rel @p0 .LBB2_25-.Ltmp11, $4  }
0xc6: {  	[tilespmem:s24+$0x1400] =	vst v9;
	s24 =	smov.u32 s22;
	s22 =	smov.u32 s23;
	s23 =	smov.u32 s25  }
0xc7: {  	s25 =	smov.u32 s28  }
0xc8: {  	s28 =	spop (v2sf)  }
0xc9: {  	s21 =	sadd.s32 s21, s28  }
0xca: {  	(xrf0) =	vadd.scan.msk.s32 $0xffff, v4;
	v8, _, _ =	vpop (xrf0)  }
0xcb: {  	(v2sf) =	vpush v8, $0xF;
	_ =	sdelay $0x4  }
0xcc: {  	v9, _, _ =	vpop (xrf0)  }
0xcd: {  	(v2sf) =	vpush v9, $0xF;
	_ =	sdelay $0x6  }
0xce: {  	s26 =	spop (v2sf)  }
0xcf: {  	v3 =	vsub.s32 s21, v3;
	s26 =	sadd.s32 s21, s26;
	s28 =	spop (v2sf)  }
0xd0: {  	v3 =	vadd.s32 v7, v3;
	v2 =	vsub.s32 s26, v2;
	s21 =	sadd.s32 s26, s28;
	s29 =	spop (v2sf)  }
0xd1: {  	[tilespmem:s24+$0x1400] =	vst v3;
	v2 =	vadd.s32 v6, v2;
	v3 =	vsub.s32 s21, v5;
	s21 =	sadd.s32 s21, s29  }
0xd2: {  	[tilespmem:s22+$0x1400] =	vst v2;
	v2 =	vadd.s32 v8, v3;
	v3 =	vsub.s32 s21, v4  }
0xd3: {  	[tilespmem:s23+$0x1400] =	vst v2;
	v2 =	vadd.s32 v9, v3  }
0xd4: {  	s30 =	simm.s32 $0x0;
	[tilespmem:s25+$0x1400] =	vst v2  }
0xd5: {  	v2 =	vld [tilespmem:s30+$0x0]  }
0xd6: {  	s22 =	simm.s32 $0x40;
	s21 =	simm.s32 $0x0;
	v3 =	vld [tilespmem:s30+$0x400];
	s31 =	spop (v2sf)  }
.LBB2_27:
0xd7: {  	p0 =	sne.s32 s22, $0xFC0;
	_ =	sdelay $0x2  }
0xd8: {  	v4 =	vshrl.u32 v2, $0x14  }
0xd9: {  	v4 =	vand.u32 $0x3FF, v4  }
0xda: {  	(xrf1) =	vunique.msk.u32 $0xffff, v4;
	_ =	sdelay $0x8  }
0xdb: {  	v5 =	vld.idx.msk [tilespmem:v4+s11+$0x0], $0xffff;
	_ =	sdelay $0x4  }
0xdc: {  	_, v6, vm0 =	vpop (xrf1)  }
0xdd: {  	v5 =	vadd.s32 v6, v5  }
0xde: {  	v5 =	vadd.s32 $0xFFFFFFFF, v5;
	_ =	sdelay $0x4  }
.Ltmp12:
0xdf: {  	s23 =	simm.s32 $0xC00;
	[tilespmem:v5+s12+$0x0] =	vst.idx.msk $0xffff, v2;
	(pc) =	sbr.rel @p0 .LBB2_27-.Ltmp12, $4  }
0xe0: {  	[tilespmem:v5+s23+$0x0] =	vst.idx.msk $0xffff, v3  }
0xe1: {  	s24 =	sshra.s32 s22, $0x2;
	[tilespmem:v4+s11+$0x0] =	vst.idx.add.s32.msk vm0, v6  }
0xe2: {  	v2 =	vld [tilespmem:s24+$0x0]  }
0xe3: {  	s22 =	sadd.s32 $0x40, s22;
	v3 =	vld [tilespmem:s24+$0x400]  }
0xe4: {  	_ =	sdelay $0x2  }
0xe5: {  	v4 =	vshrl.u32 v2, $0x14  }
0xe6: {  	v4 =	vand.u32 $0x3FF, v4  }
0xe7: {  	(xrf1) =	vunique.msk.u32 $0xffff, v4;
	_ =	sdelay $0x9  }
0xe8: {  	v5 =	vld.idx.msk [tilespmem:v4+s11+$0x0], $0xffff;
	_ =	sdelay $0x3  }
0xe9: {  	_, v6, vm0 =	vpop (xrf1)  }
0xea: {  	v5 =	vadd.s32 v6, v5  }
0xeb: {  	v5 =	vadd.s32 $0xFFFFFFFF, v5;
	_ =	sdelay $0x4  }
0xec: {  	[tilespmem:v5+s12+$0x0] =	vst.idx.msk $0xffff, v2  }
0xed: {  	[tilespmem:v5+s23+$0x0] =	vst.idx.msk $0xffff, v3  }
0xee: {  	[tilespmem:v4+s11+$0x0] =	vst.idx.add.s32.msk vm0, v6  }
0xef: {  	s22 =	simm.s32 $0x10;
	v2 =	vld [tilespmem:s23+$0x0]  }
.LBB2_29:
0xf0: {  	p0 =	sne.s32 s22, $0x3F0;
	_ =	sdelay $0x3  }
.Ltmp13:
0xf1: {  	(pc) =	sbr.rel @p0 .LBB2_29-.Ltmp13, $4  }
0xf2: {  	_ = 	snop  }
0xf3: {  	v3 =	vor.u32 s21, v0;
	s21 =	smov.u32 s22  }
0xf4: {  	s23 =	sadd.s32 $0x10, s23;
	[tilespmem:v2+s15+$0x0] =	vst.idx.msk $0xffff, v3  }
0xf5: {  	s22 =	sadd.s32 $0x10, s22;
	v2 =	vld [tilespmem:s23+$0x0]  }
0xf6: {  	_ =	sdelay $0x6  }
0xf7: {  	v3 =	vor.u32 s21, v0  }
0xf8: {  	s20 =	sadd.s32 s4, s20;
	[tilespmem:v2+s15+$0x0] =	vst.idx.msk $0xffff, v3  }
0xf9: {  	[hbm4b:s20+s6] =	stream.linear.scatter [tilespmem:s15], [sflag:$0x1], $0x400, $0x38;
	[tilespmem:$0x1C00] =	vst v63  }
0xfa: {  	_ =	swait.ge [sflag:s9], $0x400  }
0xfb: {  	s30 =	sshll.u32 s19, $0x5;
	[sflag:s9] =	ssyncset.done $0x0  }
0xfc: {  	s20 =	sadd.s32 s2, s30;
	[sflag:s9] =	ssyncadd.s32 $0xFFFFFC00  }
0xfd: {  	[hbm4b:s20+s6] =	stream.linear.scatter [tilespmem:s13], [sflag:$0x1], $0x100, $0x38;
	[tilespmem:$0x1C00] =	vst v63  }
0xfe: {  	s31 =	smul.u32 $0x60, s19;
	s18 =	sadd.s32 $0x1, s18;
	_ =	swait.ge [sflag:s9], $0x100  }
0xff: {  	p0 =	sne.s32 s18, $0x4;
	[sflag:s9] =	ssyncset.done $0x0  }
.Ltmp14:
0x100: {  	s19 =	sadd.s32 s3, s31;
	[sflag:s9] =	ssyncadd.s32 $0xFFFFFF00;
	(pc) =	sbr.rel @p0 .LBB2_2-.Ltmp14, $4  }
0x101: {  	[hbm4b:s19+s6] =	stream.linear.scatter [tilespmem:s16], [sflag:$0x1], $0x300, $0x38;
	[tilespmem:$0x1C00] =	vst v63  }
0x102: {  	_ =	swait.ge [sflag:s9], $0x300  }
0x103: {  	[sflag:s9] =	ssyncset.done $0x0  }
0x104: {  	[sflag:s9] =	ssyncadd.s32 $0xFFFFFD00  }
0x105: {  	s17 =	sadd.s32 $0x1, s17  }
0x106: {  	p0 =	sne.s32 s17, s8  }
.Ltmp15:
0x107: {  	_ = 	snop;
	(pc) =	sbr.rel @p0 .LBB2_1-.Ltmp15, $1  }
0x108: {  	_ =	sdelay $0x3  }
0x109: {  	_ =	sfence.sel $0x180000  }
0x10a: {  	[bflag:$0x0] =	sbarrier.arrive $0xFFFF  }
0x10b: {  	p0 =	sne.s32 s5, $0x0;
	_ =	strace $0x90000047  }
0x10c: {  	s0 =	sadd.s32 @!p0 $0x100000, s0;
	[bflag:$0x2] =	sbarrier.arrive $0xFFFF  }
0x10d: {  	[sflag:s0] =	ssyncadd.tile.s32 @!p0 $0x1;
	_ =	shalt  }
.Lfunc_end2:
_tile_overlayer_lowered:
.L_overlay_start_2:
0x10e: {  	(tag) =	ssettag $0x2  }
0x10f: {  	s0 =	rddreg [dreg:$0x0];
	s2 =	stileid.u32  }
0x110: {  	s1 =	rddreg [dreg:$0x1];
	p0 =	sne.s32 s2, $0x0  }
0x111: {  	s3 =	rddreg [dreg:$0x2];
	[bflag:$0x3] =	sbarrier.arrive $0xFFFF;
	s2 =	simm.s32 @!p0 $0x1C01  }
0x112: {  	[timem:s3], [sflag:s2] =	dma.local @!p0 [hbm:s0], s1  }
0x113: {  	s0 =	simm.s32 @!p0 $0x1  }
0x114: {  	_ =	swait.ge @!p0 [sflag:s0], s1  }
0x115: {  	s1 =	ssub.s32 @!p0 $0x0, s1;
	[sflag:s0] =	ssyncset.done @!p0 $0x0  }
0x116: {  	[sflag:s0] =	ssyncadd.s32 @!p0 s1  }
0x117: {  	[bflag:$0x3] =	sbarrier.arrive $0xFFFF  }
0x118: {  	_ =	shalt  }

// kernel: kernel.8.cloned.1.call-start
scs
__scs_entry_jumppad:
0x0: {  	(pc) =	sbr.rel $0x88, $3  }
0x1: {  	(tag) =	ssettag $0x0;
	lr =	simm.s32 $0x1  }
0x2: {  	[smem:$0x3F9F] =	sst lr;
	_ =	strace $0xD0000000  }
0x3: {  	_ = 	snop  }
0x4: {  	_ = 	snop  }
0x5: {  	_ = 	snop  }
0x6: {  	_ = 	snop  }
0x7: {  	_ = 	snop  }
__scs_overlays_trampoline_lowered:
0x8: {  	[smem:$0x3FAE] =	sst s0  }
0x9: {  	[smem:$0x3FAF] =	sst s1  }
0xa: {  	[smem:$0x3FB0] =	sst s2  }
0xb: {  	[smem:$0x3FB1] =	sst s3  }
0xc: {  	[smem:$0x3FB2] =	sst s4  }
0xd: {  	[smem:$0x3FB3] =	sst s5  }
0xe: {  	[smem:$0x3FB4] =	sst s6  }
0xf: {  	[smem:$0x3FB5] =	sst s7  }
0x10: {  	[smem:$0x3FB6] =	sst s8  }
0x11: {  	[smem:$0x3FB7] =	sst s9;
	s0 =	simm.s32 @!p0 $0x0  }
0x12: {  	s1 =	sld [smem:$0x3F9D];
	s0 =	simm.s32 @p0 $0x1  }
0x13: {  	[smem:$0x3FB8] =	sst s0;
	s0 =	simm.s32 @!p1 $0x0  }
0x14: {  	s2 =	sld [smem:$0x3F9C];
	s0 =	simm.s32 @p1 $0x1  }
0x15: {  	[smem:$0x3FB9] =	sst s0;
	s0 =	simm.s32 @!p2 $0x0  }
0x16: {  	s3 =	sld [smem:$0x3FDB];
	s0 =	simm.s32 @p2 $0x1  }
0x17: {  	s4 =	simm.s32 $0x1BF5;
	[smem:$0x3FBB] =	sst s0  }
0x18: {  	s0 =	sld [smem:$0x3F9E];
	_ =	swait.ge [sflag:s4], $0x0  }
0x19: {  	s7 =	sld [smem:$0x3F9F]  }
0x1a: {  	s8 =	sadd.s32 $0xFFFFE003, lr  }
0x1b: {  	s9 =	sadd.s32 $0xFFFFFEF7, lr;
	s5 =	simm.s32 $0xFFFFFFFF;
	p2 =	slt.u32 s8, $0xFFFFF086  }
0x1c: {  	p1 =	slt.u32 s9, $0xF7A;
	s5 =	simm.s32 @!p2 $0x0  }
0x1d: {  	s5 =	simm.s32 @p1 $0x1;
	p0 =	seq.s32 s7, s2  }
0x1e: {  	s7 =	smul.u32 @!p0 $0xF7A, s2;
	p2 =	seq.s32 @!p0 s5, $0x0  }
0x1f: {  	s9 =	smul.u32 $0xF7A, s1;
	s8 =	simm.s32 @!p0 $0x1BF5;
	p2 =	por !p2, p0  }
0x20: {  	[sflag:s8] =	ssyncset.s32 @!p0 $0xFFFFF086;
	s6 =	sadd.s32 @!p0 s3, s7;
	s7 =	simm.s32 @!p0 $0x108  }
0x21: {  	s3 =	sadd.s32 s3, s9;
	s6 =	sadd.s32 @!p0 $0x88, s6;
	s7 =	simm.s32 @p2 $0x1082  }
0x22: {  	[simem:s7], [sflag:s8] =	dma.local @!p0 [hbm:s6], $0xF7A  }
0x23: {  	s9 =	sor.u32 $0xD0000000, s2;
	s6 =	simm.s32 $0x108;
	_ =	swait.ge @!p0 [sflag:s8], $0x0  }
0x24: {  	s3 =	sadd.s32 $0x88, s3;
	s6 =	simm.s32 @!p1 $0x1082;
	[sflag:s4] =	ssyncset.s32 $0xFFFFF086  }
0x25: {  	[simem:s6], [sflag:s4] =	dma.local [hbm:s3], $0xF7A  }
0x26: {  	[smem:$0x3F9F] =	sst s1;
	(tag) =	ssettag s2;
	_ =	strace s9  }
0x27: {  	s1 =	sld [smem:$0x3FAF]  }
0x28: {  	s2 =	sld [smem:$0x3FB0]  }
0x29: {  	s4 =	sld [smem:$0x3FB2]  }
0x2a: {  	p0 =	seq.s32 s5, $0x0;
	s5 =	sld [smem:$0x3FB3]  }
0x2b: {  	s6 =	sld [smem:$0x3FB4]  }
0x2c: {  	s7 =	sld [smem:$0x3FB5]  }
0x2d: {  	s3 =	simm.s32 $0x108;
	s8 =	sld [smem:$0x3FB6]  }
0x2e: {  	s3 =	simm.s32 @!p0 $0x1082;
	s9 =	sld [smem:$0x3FB7]  }
0x2f: {  	lr =	sadd.s32 s0, s3;
	s0 =	sld [smem:$0x3FAE]  }
0x30: {  	s3 =	sld [smem:$0x3FB1]  }
0x31: {  	[smem:$0x3FBA] =	sst s10  }
0x32: {  	s10 =	sld [smem:$0x3FB8];
	_ =	sdelay $0x3  }
0x33: {  	p0 =	seq.s32 s10, $0x1;
	s10 =	sld [smem:$0x3FBA];
	_ =	sdelay $0x3  }
0x34: {  	[smem:$0x3FBA] =	sst s10  }
0x35: {  	s10 =	sld [smem:$0x3FB9];
	_ =	sdelay $0x3  }
0x36: {  	p1 =	seq.s32 s10, $0x1;
	s10 =	sld [smem:$0x3FBA];
	_ =	sdelay $0x3  }
0x37: {  	[smem:$0x3FBA] =	sst s10  }
0x38: {  	s10 =	sld [smem:$0x3FBB]  }
0x39: {  	_ = 	snop;
	(pc) =	sbr.ind lr, $3  }
0x3a: {  	_ = 	snop  }
0x3b: {  	_ = 	snop  }
0x3c: {  	p2 =	seq.s32 s10, $0x1;
	s10 =	sld [smem:$0x3FBA]  }
0x3d: {  	_ =	shalt  }
0x3e: {  	_ =	shalt  }
0x3f: {  	_ =	shalt  }
0x40: {  	_ =	shalt  }
0x41: {  	_ =	shalt  }
0x42: {  	_ =	shalt  }
0x43: {  	_ =	shalt  }
0x44: {  	_ =	shalt  }
0x45: {  	_ =	shalt  }
0x46: {  	_ =	shalt  }
0x47: {  	_ =	shalt  }
0x48: {  	_ =	shalt  }
0x49: {  	_ =	shalt  }
0x4a: {  	_ =	shalt  }
0x4b: {  	_ =	shalt  }
0x4c: {  	_ =	shalt  }
0x4d: {  	_ =	shalt  }
0x4e: {  	_ =	shalt  }
0x4f: {  	_ =	shalt  }
0x50: {  	_ =	shalt  }
0x51: {  	_ =	shalt  }
0x52: {  	_ =	shalt  }
0x53: {  	_ =	shalt  }
0x54: {  	_ =	shalt  }
0x55: {  	_ =	shalt  }
0x56: {  	_ =	shalt  }
0x57: {  	_ =	shalt  }
0x58: {  	_ =	shalt  }
0x59: {  	_ =	shalt  }
0x5a: {  	_ =	shalt  }
0x5b: {  	_ =	shalt  }
0x5c: {  	_ =	shalt  }
0x5d: {  	_ =	shalt  }
0x5e: {  	_ =	shalt  }
0x5f: {  	_ =	shalt  }
0x60: {  	_ =	shalt  }
0x61: {  	_ =	shalt  }
0x62: {  	_ =	shalt  }
0x63: {  	_ =	shalt  }
0x64: {  	_ =	shalt  }
0x65: {  	_ =	shalt  }
0x66: {  	_ =	shalt  }
0x67: {  	_ =	shalt  }
0x68: {  	_ =	shalt  }
0x69: {  	_ =	shalt  }
0x6a: {  	_ =	shalt  }
0x6b: {  	_ =	shalt  }
0x6c: {  	_ =	shalt  }
0x6d: {  	_ =	shalt  }
0x6e: {  	_ =	shalt  }
0x6f: {  	_ =	shalt  }
0x70: {  	_ =	shalt  }
0x71: {  	_ =	shalt  }
0x72: {  	_ =	shalt  }
0x73: {  	_ =	shalt  }
0x74: {  	_ =	shalt  }
0x75: {  	_ =	shalt  }
0x76: {  	_ =	shalt  }
0x77: {  	_ =	shalt  }
0x78: {  	_ =	shalt  }
0x79: {  	_ =	shalt  }
0x7a: {  	_ =	shalt  }
0x7b: {  	_ =	shalt  }
0x7c: {  	_ =	shalt  }
0x7d: {  	_ =	shalt  }
0x7e: {  	_ =	shalt  }
0x7f: {  	_ =	shalt  }
0x80: {  	_ =	shalt  }
0x81: {  	_ =	shalt  }
0x82: {  	_ =	shalt  }
0x83: {  	_ =	shalt  }
0x84: {  	_ =	shalt  }
0x85: {  	_ =	shalt  }
0x86: {  	_ =	shalt  }
0x87: {  	_ =	shalt  }
.Lfunc_end0:
.L_simem_size_0:
called_computation.1_lowered:
.L_overlay_start_0:
0x88: {  	s2 =	sld [smem:$0x3FD9]  }
0x89: {  	s3 =	sld [smem:$0x3FFE];
	_ =	sdelay $0x1  }
0x8a: {  	s1 =	srdreg.scid  }
0x8b: {  	s0 =	sand.u32 $0x1, s1  }
0x8c: {  	s14 =	sshll.u32 s0, $0xA;
	s2 =	sadd.s32 s3, s2  }
0x8d: {  	s2 =	sadd.s32 s2, s14  }
0x8e: {  	[smem:$0x3FC6] =	sst s2  }
0x8f: {  	_ = 	snop  }
0x90: {  	s2 =	sld [smem:$0x3FD0];
	_ =	sdelay $0x2  }
0x91: {  	s15 =	simm.s32 $0xA;
	s4 =	simm.s32 $0x10  }
0x92: {  	[smem:s4], [sflag:s15] =	dma.local [hbm:s2], $0x1  }
0x93: {  	_ =	swait.eq [sflag:s15], $0x1  }
0x94: {  	[sflag:s15] =	ssyncset.done $0x0  }
0x95: {  	[sflag:s15] =	ssyncadd.s32 $0xFFFFFFFF  }
0x96: {  	s16 =	sld [smem:$0x14];
	(tm) =	ssettm $0x1  }
0x97: {  	s17 =	sld [smem:$0x3FFB];
	_ =	sdelay $0x3  }
0x98: {  	_ =	strace s17  }
0x99: {  	s3 =	sld [smem:$0x3FFC];
	_ =	sdelay $0x3  }
0x9a: {  	_ =	strace s3  }
0x9b: {  	s3 =	sld [smem:$0x3FFD];
	_ =	sdelay $0x3  }
0x9c: {  	_ =	strace s3  }
0x9d: {  	_ =	strace $0x8FFFFFFF  }
0x9e: {  	s18 =	sld [smem:$0x3FDB];
	_ =	sdelay $0x1  }
0x9f: {  	s19 =	simm.s32 $_scs_section_size  }
0xa0: {  	s5 =	simm.s32 $_size__tile_overlayer_lowered;
	s6 =	simm.s32 $_tile_overlayer_lowered  }
0xa1: {  	s22 =	simm.s32 $0x1BFF;
	s21 =	sshll.u32 s6, $0x1;
	s3 =	sadd.s32 s19, s18  }
0xa2: {  	s7 =	simm.s32 $0x0;
	s20 =	sshll.u32 s5, $0x1;
	s5 =	sadd.s32 s21, s3  }
0xa3: {  	[timem:s7], [sflag:s22] =	dma.local [hbm:s5], s20  }
0xa4: {  	_ =	swait.ge [sflag:s22], s20  }
0xa5: {  	s4 =	ssub.s32 $0x0, s20;
	[sflag:s22] =	ssyncset.done $0x0  }
0xa6: {  	[sflag:s22] =	ssyncadd.s32 s4;
	_ =	sdelay $0x1  }
0xa7: {  	s23 =	simm.s32 $0x1B8B  }
0xa8: {  	_ =	swait.ge [sflag:s23], $0x1  }
0xa9: {  	[sflag:s23] =	ssyncset.done $0x0  }
0xaa: {  	s25 =	simm.s32 $0x1B8E;
	s24 =	sld [smem:$0x3FFE];
	[sflag:s23] =	ssyncadd.s32 $0xFFFFFFFF  }
0xab: {  	s26 =	simm.s32 $execute0_lowered;
	[smem:$0x3FD2] =	sst s25  }
0xac: {  	s5 =	sshll.u32 s26, $0x1;
	_ =	strace $0x80000049;
	[dreg:$0x1] =	wrdreg $0xFFFFFFFF  }
0xad: {  	s28 =	simm.s32 $_size_execute0_lowered;
	s3 =	sadd.s32 s3, s5;
	[dreg:$0x0] =	wrdreg $0x0  }
0xae: {  	s5 =	sshll.u32 s28, $0x1;
	[dreg:$0x2] =	wrdreg s3  }
0xaf: {  	[dreg:$0x3] =	wrdreg s5  }
0xb0: {  	[dreg:$0x4] =	wrdreg $0xC0  }
0xb1: {  	_ =	task [dreg:s7], $0x5FFFF  }
0xb2: {  	[dreg:$0x1] =	wrdreg $0xFFFFFFFF  }
0xb3: {  	[dreg:$0x0] =	wrdreg $0x60  }
0xb4: {  	[dreg:$0x2] =	wrdreg s24  }
0xb5: {  	[dreg:$0x3] =	wrdreg s16  }
0xb6: {  	[dreg:$0x4] =	wrdreg $0x9  }
0xb7: {  	_ =	task.clear_ibuf [dreg:s7], $0x5FFFF;
	_ =	strace $0x90000049  }
0xb8: {  	s29 =	simm.s32 $0x9;
	_ =	strace $0x8000004B  }
0xb9: {  	_ =	swait.ge [sflag:s29], $0x1  }
0xba: {  	[sflag:s29] =	ssyncadd.s32 $0xFFFFFFFF  }
0xbb: {  	_ =	strace $0x9000004B  }
0xbc: {  	_ =	sfence  }
0xbd: {  	s30 =	sld [smem:$0x0];
	_ =	sdelay $0x2  }
0xbe: {  	s31 =	sshll.u32 s1, $0xD;
	s1 =	sshrl.u32 s1, $0x2  }
0xbf: {  	s3 =	sand.u32 $0x4000, s31;
	s1 =	sadd.s32 s1, s30  }
0xc0: {  	s0 =	sor.u32 s3, s0;
	s1 =	sshll.u32 s1, $0x11  }
0xc1: {  	s0 =	sor.u32 s1, s0  }
0xc2: {  	s0 =	sadd.s32 $0x8F2B, s0  }
0xc3: {  	[sflag:s0] =	ssyncadd.remote.s32 $0x1  }
0xc4: {  	_ =	sfence.sel $0xFFFF  }
0xc5: {  	[dreg:$0x0] =	wrdreg $0xFFFFFFFF;
	(pc) =	sbr.abs _section_cstart, $3  }
0xc6: {  	[dreg:$0x1] =	wrdreg $0xFFFFFFFF  }
0xc7: {  	_ =	task.clear_ibuf [dreg:s7], $0x2FFFF;
	_ =	strace $0x9FFFFFFF  }
0xc8: {  	(tm) =	ssettm $0x7FFFFFFF  }
0xc9: {  	_ =	shalt  }
tec
execute0_lowered:
.L_overlay_start_1:
0x0: {  	(tag) =	ssettag $0x1  }
0x1: {  	s0 =	rddreg [dreg:$0x0];
	s2 =	simm.s32 $0x0  }
0x2: {  	s1 =	srdreg.scid;
	s5 =	stileid.u32;
	s8 =	simm.s32 $0x2  }
0x3: {  	s9 =	simm.s32 $0x100;
	s10 =	simm.s32 $0x200;
	s11 =	simm.s32 $0x280  }
0x4: {  	s28 =	simm.s32 $0x8280;
	s29 =	simm.s32 $0x8A80;
	s30 =	simm.s32 $0x9280  }
0x5: {  	s31 =	simm.s32 $0x9A80;
	s12 =	simm.s32 $0xC280;
	s13 =	simm.s32 $0xCA80  }
0x6: {  	s14 =	simm.s32 $0xD280;
	s15 =	simm.s32 $0xDA80;
	s16 =	simm.s32 $0xE280  }
0x7: {  	s17 =	simm.s32 $0xEA80;
	s18 =	simm.s32 $0xF280;
	s19 =	simm.s32 $0xFA80  }
0x8: {  	s20 =	simm.s32 $0x10280;
	s21 =	simm.s32 $0x1;
	s23 =	simm.s32 $0x0  }
0x9: {  	[smem:$0x7FF] =	sst s2;
	s1 =	sand.u32 $0x1, s1;
	s4 =	sadd.s32 $0x1200, s0  }
0xa: {  	s7 =	sshll.u32 s5, $0x3;
	s5 =	sadd.s32 $0x402200, s0;
	s3 =	ssub.s32 $0x2, s1  }
0xb: {  	_ =	strace $0x8000004A;
	s1 =	sshll.u32 s1, $0x2;
	s6 =	sshrl.u32 s3, $0x1  }
0xc: {  	v0 =	vimm.s32 $0x0;
	v1 =	vlaneseq.u32;
	s26 =	ssub.s32 s3, s6;
	s6 =	sor.u32 s1, s7;
	s3 =	simm.s32 $0xAA80  }
0xd: {  	vm0 =	vmmov $0xffff;
	v2 =	vor.u32 $0xFFFFFF00, v1;
	v4 =	vshrl.u32 v1, $0x3;
	s7 =	simm.s32 $0xB280;
	s1 =	simm.s32 $0xBA80;
	s0 =	smax.u32 s26, $0x1  }
0xe: {  	v3 =	vand.u32 $0x7, v1;
	v5 =	vor.u32 $0x8, v1;
	v4 =	vmul.u32 $0x8, v4;
	s26 =	simm.s32 $0x7A80;
	[dreg:$0x3] =	wrdreg s0;
	s0 =	simm.s32 $0xA280  }
.LBB2_1:
0xf: {  	[dreg:$0x4] =	wrdreg s23;
	s22 =	simm.s32 $0x0  }
.LBB2_2:
0x10: {  	s23 =	sadd.s32 s6, s22  }
0x11: {  	s25 =	rddreg [dreg:$0x1];
	s24 =	sshll.u32 s23, $0x5  }
0x12: {  	s25 =	sadd.s32 s25, s24;
	s24 =	simm.s32 $0x0  }
0x13: {  	[tilespmem:s24], [sflag:$0x2] =	stream.linear.gather [hbm4b:s25+s24], $0x100, $0x38;
	[tilespmem:$0x10A80] =	vst v63  }
0x14: {  	_ =	swait.ge [sflag:s8], $0x100  }
0x15: {  	[sflag:s8] =	ssyncset.done $0x0  }
0x16: {  	v6 =	vmov s23;
	[sflag:s8] =	ssyncadd.s32 $0xFFFFFF00  }
0x17: {  	[tilespmem:$0x200] =	vst v6  }
0x18: {  	s25 =	simm.s32 $0x1;
	[tilespmem:v0+s9+$0x0] =	vst.idx.msk $0x1, v6  }
0x19: {  	v7 =	vadd.s32 s25, v1;
	v8 =	vld [tilespmem:s24+$0x0]  }
0x1a: {  	v9 =	vadd.s32 s25, v2;
	s25 =	simm.s32 $0x11;
	vm1 =	vlt.u32 v7, $0x100;
	v6 =	vadd.s32 $0x80, v6  }
.LBB2_3:
0x1b: {  	p0 =	sne.s32 s25, $0xF1;
	vm2 =	vgt.s32 v9, $0x0;
	vm3 =	veq.s32 v7, $0x100  }
0x1c: {  	v9 =	vnsel vm2, $0x0, v9;
	_ =	sdelay $0x1  }
0x1d: {  	v8 =	vshll.u32 v8, $0x7  }
.Ltmp0:
0x1e: {  	v8 =	vadd.s32 v6, v8;
	(pc) =	sbr.rel @p0 .LBB2_3-.Ltmp0, $4  }
0x1f: {  	[tilespmem:v7+s9+$0x0] =	vst.idx.msk vm1, v8  }
0x20: {  	s24 =	sadd.s32 $0x10, s24;
	[tilespmem:v9+s10+$0x0] =	vst.idx.msk vm3, v8  }
0x21: {  	v7 =	vadd.s32 s25, v1;
	v8 =	vld [tilespmem:s24+$0x0]  }
0x22: {  	vm1 =	vlt.u32 v7, $0x100;
	v9 =	vadd.s32 s25, v2;
	s25 =	sadd.s32 $0x10, s25  }
0x23: {  	vm2 =	vgt.s32 v9, $0x0;
	vm3 =	veq.s32 v7, $0x100  }
0x24: {  	v9 =	vnsel vm2, $0x0, v9;
	_ =	sdelay $0x1  }
0x25: {  	v8 =	vshll.u32 v8, $0x7  }
0x26: {  	v6 =	vadd.s32 v6, v8  }
0x27: {  	[tilespmem:v7+s9+$0x0] =	vst.idx.msk vm1, v6  }
0x28: {  	[tilespmem:v9+s10+$0x0] =	vst.idx.msk vm3, v6  }
0x29: {  	v6 =	vld [tilespmem:$0x100];
	_ =	sdelay $0x4  }
0x2a: {  	v7 =	vshll.u32 v6, $0x1  }
0x2b: {  	v6 =	vand.u32 $0x7, v6;
	v7 =	vand.u32 $0xFFFFFFF0, v7  }
0x2c: {  	v6 =	vor.u32 v6, v7  }
0x2d: {  	v7 =	vperm.xlane v6, v3;
	_ =	sdelay $0x1  }
0x2e: {  	v6 =	vperm.xlane v6, v5;
	v7 =	vadd.s32 v4, v7;
	_ =	sdelay $0x1  }
0x2f: {  	v6 =	vadd.s32 v4, v6;
	_ =	sdelay $0x2  }
0x30: {  	[tilespmem:s11], [sflag:$0x1] =	stream.indirect_vreg.gather [hbm4b:s4+s2], $0x80, v7, vm0, $0xb8;
	[tilespmem:$0x10A80] =	vst v63  }
0x31: {  	s24 =	simm.s32 $0xA80  }
0x32: {  	[tilespmem:s24], [sflag:$0x1] =	stream.indirect_vreg.gather [hbm4b:s4+s2], $0x80, v6, vm0, $0xb8;
	[tilespmem:$0x10A80] =	vst v63  }
0x33: {  	v6 =	vld [tilespmem:$0x110];
	_ =	sdelay $0x4  }
0x34: {  	v7 =	vshll.u32 v6, $0x1  }
0x35: {  	v6 =	vand.u32 $0x7, v6;
	v7 =	vand.u32 $0xFFFFFFF0, v7  }
0x36: {  	v6 =	vor.u32 v6, v7  }
0x37: {  	v7 =	vperm.xlane v6, v3;
	_ =	sdelay $0x1  }
0x38: {  	v6 =	vperm.xlane v6, v5;
	v7 =	vadd.s32 v4, v7;
	_ =	sdelay $0x1  }
0x39: {  	v6 =	vadd.s32 v4, v6;
	_ =	sdelay $0x1  }
0x3a: {  	s25 =	simm.s32 $0x1280  }
0x3b: {  	[tilespmem:s25], [sflag:$0x1] =	stream.indirect_vreg.gather [hbm4b:s4+s2], $0x80, v7, vm0, $0xb8;
	[tilespmem:$0x10A80] =	vst v63  }
0x3c: {  	s25 =	simm.s32 $0x1A80  }
0x3d: {  	[tilespmem:s25], [sflag:$0x1] =	stream.indirect_vreg.gather [hbm4b:s4+s2], $0x80, v6, vm0, $0xb8;
	[tilespmem:$0x10A80] =	vst v63  }
0x3e: {  	v6 =	vld [tilespmem:$0x120];
	_ =	sdelay $0x4  }
0x3f: {  	v7 =	vshll.u32 v6, $0x1  }
0x40: {  	v6 =	vand.u32 $0x7, v6;
	v7 =	vand.u32 $0xFFFFFFF0, v7  }
0x41: {  	v6 =	vor.u32 v6, v7  }
0x42: {  	v7 =	vperm.xlane v6, v3;
	_ =	sdelay $0x1  }
0x43: {  	v6 =	vperm.xlane v6, v5;
	v7 =	vadd.s32 v4, v7;
	_ =	sdelay $0x1  }
0x44: {  	v6 =	vadd.s32 v4, v6;
	_ =	sdelay $0x1  }
0x45: {  	s25 =	simm.s32 $0x2280  }
0x46: {  	[tilespmem:s25], [sflag:$0x1] =	stream.indirect_vreg.gather [hbm4b:s4+s2], $0x80, v7, vm0, $0xb8;
	[tilespmem:$0x10A80] =	vst v63  }
0x47: {  	s25 =	simm.s32 $0x2A80  }
0x48: {  	[tilespmem:s25], [sflag:$0x1] =	stream.indirect_vreg.gather [hbm4b:s4+s2], $0x80, v6, vm0, $0xb8;
	[tilespmem:$0x10A80] =	vst v63  }
0x49: {  	v6 =	vld [tilespmem:$0x130];
	_ =	sdelay $0x4  }
0x4a: {  	v7 =	vshll.u32 v6, $0x1  }
0x4b: {  	v6 =	vand.u32 $0x7, v6;
	v7 =	vand.u32 $0xFFFFFFF0, v7  }
0x4c: {  	v6 =	vor.u32 v6, v7  }
0x4d: {  	v7 =	vperm.xlane v6, v3;
	_ =	sdelay $0x1  }
0x4e: {  	v6 =	vperm.xlane v6, v5;
	v7 =	vadd.s32 v4, v7;
	_ =	sdelay $0x1  }
0x4f: {  	v6 =	vadd.s32 v4, v6;
	_ =	sdelay $0x1  }
0x50: {  	s25 =	simm.s32 $0x3280  }
0x51: {  	[tilespmem:s25], [sflag:$0x1] =	stream.indirect_vreg.gather [hbm4b:s4+s2], $0x80, v7, vm0, $0xb8;
	[tilespmem:$0x10A80] =	vst v63  }
0x52: {  	s25 =	simm.s32 $0x3A80  }
0x53: {  	[tilespmem:s25], [sflag:$0x1] =	stream.indirect_vreg.gather [hbm4b:s4+s2], $0x80, v6, vm0, $0xb8;
	[tilespmem:$0x10A80] =	vst v63  }
0x54: {  	v6 =	vld [tilespmem:$0x140];
	_ =	sdelay $0x4  }
0x55: {  	v7 =	vshll.u32 v6, $0x1  }
0x56: {  	v6 =	vand.u32 $0x7, v6;
	v7 =	vand.u32 $0xFFFFFFF0, v7  }
0x57: {  	v6 =	vor.u32 v6, v7  }
0x58: {  	v7 =	vperm.xlane v6, v3;
	_ =	sdelay $0x1  }
0x59: {  	v6 =	vperm.xlane v6, v5;
	v7 =	vadd.s32 v4, v7;
	_ =	sdelay $0x1  }
0x5a: {  	v6 =	vadd.s32 v4, v6;
	_ =	sdelay $0x1  }
0x5b: {  	s25 =	simm.s32 $0x4280  }
0x5c: {  	[tilespmem:s25], [sflag:$0x1] =	stream.indirect_vreg.gather [hbm4b:s4+s2], $0x80, v7, vm0, $0xb8;
	[tilespmem:$0x10A80] =	vst v63  }
0x5d: {  	s25 =	simm.s32 $0x4A80  }
0x5e: {  	[tilespmem:s25], [sflag:$0x1] =	stream.indirect_vreg.gather [hbm4b:s4+s2], $0x80, v6, vm0, $0xb8;
	[tilespmem:$0x10A80] =	vst v63  }
0x5f: {  	v6 =	vld [tilespmem:$0x150];
	_ =	sdelay $0x4  }
0x60: {  	v7 =	vshll.u32 v6, $0x1  }
0x61: {  	v6 =	vand.u32 $0x7, v6;
	v7 =	vand.u32 $0xFFFFFFF0, v7  }
0x62: {  	v6 =	vor.u32 v6, v7  }
0x63: {  	v7 =	vperm.xlane v6, v3;
	_ =	sdelay $0x1  }
0x64: {  	v6 =	vperm.xlane v6, v5;
	v7 =	vadd.s32 v4, v7;
	_ =	sdelay $0x1  }
0x65: {  	v6 =	vadd.s32 v4, v6;
	_ =	sdelay $0x1  }
0x66: {  	s25 =	simm.s32 $0x5280  }
0x67: {  	[tilespmem:s25], [sflag:$0x1] =	stream.indirect_vreg.gather [hbm4b:s4+s2], $0x80, v7, vm0, $0xb8;
	[tilespmem:$0x10A80] =	vst v63  }
0x68: {  	s25 =	simm.s32 $0x5A80  }
0x69: {  	[tilespmem:s25], [sflag:$0x1] =	stream.indirect_vreg.gather [hbm4b:s4+s2], $0x80, v6, vm0, $0xb8;
	[tilespmem:$0x10A80] =	vst v63  }
0x6a: {  	v6 =	vld [tilespmem:$0x160];
	_ =	sdelay $0x4  }
0x6b: {  	v7 =	vshll.u32 v6, $0x1  }
0x6c: {  	v6 =	vand.u32 $0x7, v6;
	v7 =	vand.u32 $0xFFFFFFF0, v7  }
0x6d: {  	v6 =	vor.u32 v6, v7  }
0x6e: {  	v7 =	vperm.xlane v6, v3;
	_ =	sdelay $0x1  }
0x6f: {  	v6 =	vperm.xlane v6, v5;
	v7 =	vadd.s32 v4, v7;
	_ =	sdelay $0x1  }
0x70: {  	v6 =	vadd.s32 v4, v6;
	_ =	sdelay $0x1  }
0x71: {  	s25 =	simm.s32 $0x6280  }
0x72: {  	[tilespmem:s25], [sflag:$0x1] =	stream.indirect_vreg.gather [hbm4b:s4+s2], $0x80, v7, vm0, $0xb8;
	[tilespmem:$0x10A80] =	vst v63  }
0x73: {  	s25 =	simm.s32 $0x6A80  }
0x74: {  	[tilespmem:s25], [sflag:$0x1] =	stream.indirect_vreg.gather [hbm4b:s4+s2], $0x80, v6, vm0, $0xb8;
	[tilespmem:$0x10A80] =	vst v63  }
0x75: {  	v6 =	vld [tilespmem:$0x170];
	_ =	sdelay $0x4  }
0x76: {  	v7 =	vshll.u32 v6, $0x1  }
0x77: {  	v6 =	vand.u32 $0x7, v6;
	v7 =	vand.u32 $0xFFFFFFF0, v7  }
0x78: {  	v6 =	vor.u32 v6, v7  }
0x79: {  	v7 =	vperm.xlane v6, v3;
	_ =	sdelay $0x1  }
0x7a: {  	v6 =	vperm.xlane v6, v5;
	v7 =	vadd.s32 v4, v7;
	_ =	sdelay $0x1  }
0x7b: {  	v6 =	vadd.s32 v4, v6;
	_ =	sdelay $0x1  }
0x7c: {  	s25 =	simm.s32 $0x7280  }
0x7d: {  	[tilespmem:s25], [sflag:$0x1] =	stream.indirect_vreg.gather [hbm4b:s4+s2], $0x80, v7, vm0, $0xb8;
	[tilespmem:$0x10A80] =	vst v63  }
0x7e: {  	_ = 	snop  }
0x7f: {  	[tilespmem:s26], [sflag:$0x1] =	stream.indirect_vreg.gather [hbm4b:s4+s2], $0x80, v6, vm0, $0xb8;
	[tilespmem:$0x10A80] =	vst v63  }
0x80: {  	v6 =	vld [tilespmem:$0x180];
	_ =	sdelay $0x4  }
0x81: {  	v7 =	vshll.u32 v6, $0x1  }
0x82: {  	v6 =	vand.u32 $0x7, v6;
	v7 =	vand.u32 $0xFFFFFFF0, v7  }
0x83: {  	v6 =	vor.u32 v6, v7  }
0x84: {  	v7 =	vperm.xlane v6, v3;
	_ =	sdelay $0x1  }
0x85: {  	v6 =	vperm.xlane v6, v5;
	v7 =	vadd.s32 v4, v7;
	_ =	sdelay $0x1  }
0x86: {  	v6 =	vadd.s32 v4, v6;
	_ =	sdelay $0x2  }
0x87: {  	[tilespmem:s28], [sflag:$0x1] =	stream.indirect_vreg.gather [hbm4b:s4+s2], $0x80, v7, vm0, $0xb8;
	[tilespmem:$0x10A80] =	vst v63  }
0x88: {  	_ = 	snop  }
0x89: {  	[tilespmem:s29], [sflag:$0x1] =	stream.indirect_vreg.gather [hbm4b:s4+s2], $0x80, v6, vm0, $0xb8;
	[tilespmem:$0x10A80] =	vst v63  }
0x8a: {  	v6 =	vld [tilespmem:$0x190];
	_ =	sdelay $0x4  }
0x8b: {  	v7 =	vshll.u32 v6, $0x1  }
0x8c: {  	v6 =	vand.u32 $0x7, v6;
	v7 =	vand.u32 $0xFFFFFFF0, v7  }
0x8d: {  	v6 =	vor.u32 v6, v7  }
0x8e: {  	v7 =	vperm.xlane v6, v3;
	_ =	sdelay $0x1  }
0x8f: {  	v6 =	vperm.xlane v6, v5;
	v7 =	vadd.s32 v4, v7;
	_ =	sdelay $0x1  }
0x90: {  	v6 =	vadd.s32 v4, v6;
	_ =	sdelay $0x2  }
0x91: {  	[tilespmem:s30], [sflag:$0x1] =	stream.indirect_vreg.gather [hbm4b:s4+s2], $0x80, v7, vm0, $0xb8;
	[tilespmem:$0x10A80] =	vst v63  }
0x92: {  	_ = 	snop  }
0x93: {  	[tilespmem:s31], [sflag:$0x1] =	stream.indirect_vreg.gather [hbm4b:s4+s2], $0x80, v6, vm0, $0xb8;
	[tilespmem:$0x10A80] =	vst v63  }
0x94: {  	v6 =	vld [tilespmem:$0x1A0];
	_ =	sdelay $0x4  }
0x95: {  	v7 =	vshll.u32 v6, $0x1  }
0x96: {  	v6 =	vand.u32 $0x7, v6;
	v7 =	vand.u32 $0xFFFFFFF0, v7  }
0x97: {  	v6 =	vor.u32 v6, v7  }
0x98: {  	v7 =	vperm.xlane v6, v3;
	_ =	sdelay $0x1  }
0x99: {  	v6 =	vperm.xlane v6, v5;
	v7 =	vadd.s32 v4, v7;
	_ =	sdelay $0x1  }
0x9a: {  	v6 =	vadd.s32 v4, v6;
	_ =	sdelay $0x2  }
0x9b: {  	[tilespmem:s0], [sflag:$0x1] =	stream.indirect_vreg.gather [hbm4b:s4+s2], $0x80, v7, vm0, $0xb8;
	[tilespmem:$0x10A80] =	vst v63  }
0x9c: {  	_ = 	snop  }
0x9d: {  	[tilespmem:s3], [sflag:$0x1] =	stream.indirect_vreg.gather [hbm4b:s4+s2], $0x80, v6, vm0, $0xb8;
	[tilespmem:$0x10A80] =	vst v63  }
0x9e: {  	v6 =	vld [tilespmem:$0x1B0];
	_ =	sdelay $0x4  }
0x9f: {  	v7 =	vshll.u32 v6, $0x1  }
0xa0: {  	v6 =	vand.u32 $0x7, v6;
	v7 =	vand.u32 $0xFFFFFFF0, v7  }
0xa1: {  	v6 =	vor.u32 v6, v7  }
0xa2: {  	v7 =	vperm.xlane v6, v3;
	_ =	sdelay $0x1  }
0xa3: {  	v6 =	vperm.xlane v6, v5;
	v7 =	vadd.s32 v4, v7;
	_ =	sdelay $0x1  }
0xa4: {  	v6 =	vadd.s32 v4, v6;
	_ =	sdelay $0x2  }
0xa5: {  	[tilespmem:s7], [sflag:$0x1] =	stream.indirect_vreg.gather [hbm4b:s4+s2], $0x80, v7, vm0, $0xb8;
	[tilespmem:$0x10A80] =	vst v63  }
0xa6: {  	_ = 	snop  }
0xa7: {  	[tilespmem:s1], [sflag:$0x1] =	stream.indirect_vreg.gather [hbm4b:s4+s2], $0x80, v6, vm0, $0xb8;
	[tilespmem:$0x10A80] =	vst v63  }
0xa8: {  	v6 =	vld [tilespmem:$0x1C0];
	_ =	sdelay $0x4  }
0xa9: {  	v7 =	vshll.u32 v6, $0x1  }
0xaa: {  	v6 =	vand.u32 $0x7, v6;
	v7 =	vand.u32 $0xFFFFFFF0, v7  }
0xab: {  	v6 =	vor.u32 v6, v7  }
0xac: {  	v7 =	vperm.xlane v6, v3;
	_ =	sdelay $0x1  }
0xad: {  	v6 =	vperm.xlane v6, v5;
	v7 =	vadd.s32 v4, v7;
	_ =	sdelay $0x1  }
0xae: {  	v6 =	vadd.s32 v4, v6;
	_ =	sdelay $0x2  }
0xaf: {  	[tilespmem:s12], [sflag:$0x1] =	stream.indirect_vreg.gather [hbm4b:s4+s2], $0x80, v7, vm0, $0xb8;
	[tilespmem:$0x10A80] =	vst v63  }
0xb0: {  	_ = 	snop  }
0xb1: {  	[tilespmem:s13], [sflag:$0x1] =	stream.indirect_vreg.gather [hbm4b:s4+s2], $0x80, v6, vm0, $0xb8;
	[tilespmem:$0x10A80] =	vst v63  }
0xb2: {  	v6 =	vld [tilespmem:$0x1D0];
	_ =	sdelay $0x4  }
0xb3: {  	v7 =	vshll.u32 v6, $0x1  }
0xb4: {  	v6 =	vand.u32 $0x7, v6;
	v7 =	vand.u32 $0xFFFFFFF0, v7  }
0xb5: {  	v6 =	vor.u32 v6, v7  }
0xb6: {  	v7 =	vperm.xlane v6, v3;
	_ =	sdelay $0x1  }
0xb7: {  	v6 =	vperm.xlane v6, v5;
	v7 =	vadd.s32 v4, v7;
	_ =	sdelay $0x1  }
0xb8: {  	v6 =	vadd.s32 v4, v6;
	_ =	sdelay $0x2  }
0xb9: {  	[tilespmem:s14], [sflag:$0x1] =	stream.indirect_vreg.gather [hbm4b:s4+s2], $0x80, v7, vm0, $0xb8;
	[tilespmem:$0x10A80] =	vst v63  }
0xba: {  	_ = 	snop  }
0xbb: {  	[tilespmem:s15], [sflag:$0x1] =	stream.indirect_vreg.gather [hbm4b:s4+s2], $0x80, v6, vm0, $0xb8;
	[tilespmem:$0x10A80] =	vst v63  }
0xbc: {  	v6 =	vld [tilespmem:$0x1E0];
	_ =	sdelay $0x4  }
0xbd: {  	v7 =	vshll.u32 v6, $0x1  }
0xbe: {  	v6 =	vand.u32 $0x7, v6;
	v7 =	vand.u32 $0xFFFFFFF0, v7  }
0xbf: {  	v6 =	vor.u32 v6, v7  }
0xc0: {  	v7 =	vperm.xlane v6, v3;
	_ =	sdelay $0x1  }
0xc1: {  	v6 =	vperm.xlane v6, v5;
	v7 =	vadd.s32 v4, v7;
	_ =	sdelay $0x1  }
0xc2: {  	v6 =	vadd.s32 v4, v6;
	_ =	sdelay $0x2  }
0xc3: {  	[tilespmem:s16], [sflag:$0x1] =	stream.indirect_vreg.gather [hbm4b:s4+s2], $0x80, v7, vm0, $0xb8;
	[tilespmem:$0x10A80] =	vst v63  }
0xc4: {  	_ = 	snop  }
0xc5: {  	[tilespmem:s17], [sflag:$0x1] =	stream.indirect_vreg.gather [hbm4b:s4+s2], $0x80, v6, vm0, $0xb8;
	[tilespmem:$0x10A80] =	vst v63  }
0xc6: {  	v6 =	vld [tilespmem:$0x1F0];
	_ =	sdelay $0x4  }
0xc7: {  	v7 =	vshll.u32 v6, $0x1  }
0xc8: {  	v6 =	vand.u32 $0x7, v6;
	v7 =	vand.u32 $0xFFFFFFF0, v7  }
0xc9: {  	v6 =	vor.u32 v6, v7  }
0xca: {  	v7 =	vperm.xlane v6, v3;
	_ =	sdelay $0x1  }
0xcb: {  	v6 =	vperm.xlane v6, v5;
	v7 =	vadd.s32 v4, v7;
	_ =	sdelay $0x1  }
0xcc: {  	v6 =	vadd.s32 v4, v6;
	_ =	sdelay $0x2  }
0xcd: {  	[tilespmem:s18], [sflag:$0x1] =	stream.indirect_vreg.gather [hbm4b:s4+s2], $0x80, v7, vm0, $0xb8;
	[tilespmem:$0x10A80] =	vst v63  }
0xce: {  	_ = 	snop  }
0xcf: {  	[tilespmem:s19], [sflag:$0x1] =	stream.indirect_vreg.gather [hbm4b:s4+s2], $0x80, v6, vm0, $0xb8;
	[tilespmem:$0x10A80] =	vst v63  }
0xd0: {  	v6 =	vld.msk [tilespmem:$0x200], $0xff;
	_ =	sdelay $0x4  }
0xd1: {  	v7 =	vshll.u32 v6, $0x1  }
0xd2: {  	v6 =	vand.u32 $0x7, v6;
	v7 =	vand.u32 $0xFFFFFFF0, v7  }
0xd3: {  	v6 =	vor.u32 v6, v7  }
0xd4: {  	v6 =	vperm.xlane v6, v3;
	_ =	sdelay $0x1  }
0xd5: {  	v6 =	vadd.s32 v4, v6;
	_ =	sdelay $0x4  }
0xd6: {  	[tilespmem:s20], [sflag:$0x1] =	stream.indirect_vreg.gather [hbm4b:s4+s2], $0x80, v6, vm0, $0xb8;
	[tilespmem:$0x10A80] =	vst v63  }
0xd7: {  	_ =	swait.ge [sflag:s21], $0x8000  }
0xd8: {  	[sflag:s21] =	ssyncset.done $0x0  }
0xd9: {  	[sflag:s21] =	ssyncadd.s32 $0xFFFF8000  }
0xda: {  	_ =	swait.ge [sflag:s21], $0x8000  }
0xdb: {  	[sflag:s21] =	ssyncset.done $0x0  }
0xdc: {  	[sflag:s21] =	ssyncadd.s32 $0xFFFF8000  }
0xdd: {  	s23 =	smul.u32 $0x2100, s23;
	s22 =	sadd.s32 $0x1, s22;
	_ =	swait.ge [sflag:s21], $0x800  }
0xde: {  	p0 =	sne.s32 s22, $0x4;
	[sflag:s21] =	ssyncset.done $0x0  }
.Ltmp1:
0xdf: {  	s23 =	sadd.s32 s5, s23;
	[sflag:s21] =	ssyncadd.s32 $0xFFFFF800;
	(pc) =	sbr.rel @p0 .LBB2_2-.Ltmp1, $4  }
0xe0: {  	[hbm4b:s23+s2] =	stream.linear.scatter [tilespmem:s11], [sflag:$0x2], $0x10800, $0x38;
	[tilespmem:$0x10A80] =	vst v63  }
0xe1: {  	_ =	swait.ge [sflag:s8], $0x10800  }
0xe2: {  	[sflag:s8] =	ssyncset.done $0x0  }
0xe3: {  	[sflag:s8] =	ssyncadd.s32 $0xFFFEF800  }
0xe4: {  	s23 =	rddreg [dreg:$0x4]  }
0xe5: {  	s22 =	rddreg [dreg:$0x3];
	s23 =	sadd.s32 $0x1, s23  }
0xe6: {  	p0 =	sne.s32 s23, s22  }
.Ltmp2:
0xe7: {  	_ = 	snop;
	(pc) =	sbr.rel @p0 .LBB2_1-.Ltmp2, $1  }
0xe8: {  	_ =	sdelay $0x3  }
0xe9: {  	_ =	sfence.sel $0x180000  }
0xea: {  	[bflag:$0x0] =	sbarrier.arrive $0xFFFF  }
0xeb: {  	_ =	strace $0x9000004A  }
0xec: {  	s0 =	stileid.u32;
	[bflag:$0x2] =	sbarrier.arrive $0xFFFF  }
0xed: {  	p0 =	sne.s32 s0, $0x0;
	s0 =	rddreg [dreg:$0x2]  }
0xee: {  	s0 =	sadd.s32 @!p0 $0x100000, s0  }
0xef: {  	[sflag:s0] =	ssyncadd.tile.s32 @!p0 $0x1;
	_ =	shalt  }
.Lfunc_end2:
_tile_overlayer_lowered:
.L_overlay_start_2:
0xf0: {  	(tag) =	ssettag $0x2  }
0xf1: {  	s0 =	rddreg [dreg:$0x0];
	s2 =	stileid.u32  }
0xf2: {  	s1 =	rddreg [dreg:$0x1];
	p0 =	sne.s32 s2, $0x0  }
0xf3: {  	s3 =	rddreg [dreg:$0x2];
	[bflag:$0x3] =	sbarrier.arrive $0xFFFF;
	s2 =	simm.s32 @!p0 $0x1C02  }
0xf4: {  	[timem:s3], [sflag:s2] =	dma.local @!p0 [hbm:s0], s1  }
0xf5: {  	s0 =	simm.s32 @!p0 $0x2  }
0xf6: {  	_ =	swait.ge @!p0 [sflag:s0], s1  }
0xf7: {  	s1 =	ssub.s32 @!p0 $0x0, s1;
	[sflag:s0] =	ssyncset.done @!p0 $0x0  }
0xf8: {  	[sflag:s0] =	ssyncadd.s32 @!p0 s1  }
0xf9: {  	[bflag:$0x3] =	sbarrier.arrive $0xFFFF  }
0xfa: {  	_ =	shalt  }

</sc_bundles>
